<compile_context>
chip_gen: v7x
topology: tpu7x:2x2x1
jax: 0.10.2.dev20260603
libtpu: 0.0.44.dev20260713+nightly
codegen_flags: <defaults>
</compile_context>

<pallas_src>
import functools

import jax
import jax.numpy as jnp
from jax import lax
from jax.experimental import pallas as pl
from jax.experimental.pallas import tpu as pltpu
from jax.experimental.pallas import tpu_sc as plsc

N = 10000
NPAD = 10240
DUMMY = 10000
E = 320000
NW = 32
NCHUNK = 80
C = 128
NBUF = 8
EPAD = NW * NCHUNK * C
STRIPE = NPAD // 16
D1 = 32
DIN = 128

_sc_mesh = plsc.VectorSubcoreMesh(core_axis_name="c", subcore_axis_name="s")



@functools.partial(
    pl.kernel,
    out_type=jax.ShapeDtypeStruct((NW, NPAD), jnp.float32),
    mesh=_sc_mesh,
    compiler_params=pltpu.CompilerParams(needs_layout_passes=False, use_tc_tiling_on_sc=False),
    scratch_types=[
        pltpu.VMEM((NCHUNK, C), jnp.int32),
        pltpu.VMEM((NPAD,), jnp.float32),
    ],
)
def _sc_degree(dst_hbm, degp_hbm, dst_v, deg_v):
    cid = lax.axis_index("c")
    sid = lax.axis_index("s")
    wid = sid * 2 + cid
    pltpu.sync_copy(dst_hbm.at[wid], dst_v)

    def _zero(i, carry):
        deg_v[pl.ds(i * 16, 16)] = jnp.zeros((16,), jnp.float32)
        return carry

    lax.fori_loop(0, NPAD // 16, _zero, 0)
    ones = jnp.ones((16,), jnp.float32)

    def _outer(j, carry):
        for k in range(C // 16):
            idx = dst_v[j, pl.ds(k * 16, 16)]
            plsc.addupdate_scatter(deg_v, [idx], ones)
        return carry

    lax.fori_loop(0, NCHUNK, _outer, 0)
    pltpu.sync_copy(deg_v, degp_hbm.at[wid])


@functools.partial(
    pl.kernel,
    out_type=jax.ShapeDtypeStruct((2, NPAD, D1), jnp.float32),
    mesh=_sc_mesh,
    compiler_params=pltpu.CompilerParams(needs_layout_passes=False, use_tc_tiling_on_sc=False),
    scratch_types=[
        pltpu.VMEM((NCHUNK, C), jnp.int32),
        pltpu.VMEM((NCHUNK, C), jnp.int32),
        pltpu.VMEM((NBUF, C, D1), jnp.float32),
        pltpu.VMEM((STRIPE, D1), jnp.float32),
        pltpu.VMEM_SHARED((NPAD, D1), jnp.float32),
        pltpu.VMEM_SHARED((NPAD, D1), jnp.float32),
        pltpu.SemaphoreType.DMA((NBUF,)),
        pltpu.SemaphoreType.DMA((NBUF,)),
    ],
)
def _sc_agg(g_hbm, src_hbm, dst_hbm, out_hbm,
            src_v, dst_v, rows_v, buf_v, acc_sh, g_sh, gsem, ssem):
    cid = lax.axis_index("c")
    sid = lax.axis_index("s")
    wid = sid * 2 + cid

    pltpu.sync_copy(g_hbm.at[pl.ds(sid * STRIPE, STRIPE)],
                    g_sh.at[pl.ds(sid * STRIPE, STRIPE)])

    zeros = jnp.zeros((16,), jnp.float32)

    def _zero(i, carry):
        buf_v[i, pl.ds(0, 16)] = zeros
        buf_v[i, pl.ds(16, 16)] = zeros
        return carry

    lax.fori_loop(0, STRIPE, _zero, 0)
    pltpu.sync_copy(buf_v, acc_sh.at[pl.ds(sid * STRIPE, STRIPE)])
    pltpu.sync_copy(src_hbm.at[wid], src_v)
    pltpu.sync_copy(dst_hbm.at[wid], dst_v)
    plsc.subcore_barrier()

    for b in range(NBUF):
        pltpu.async_copy(g_sh.at[src_v.at[b]], rows_v.at[b], gsem.at[b])

    def _round(r, carry):
        for b in range(NBUF):
            j = r * NBUF + b
            pltpu.make_async_copy(
                g_sh.at[src_v.at[j]], rows_v.at[b], gsem.at[b]).wait()
            pltpu.async_copy(
                rows_v.at[b], acc_sh.at[dst_v.at[j]], ssem.at[b], add=True)
            pltpu.make_async_copy(
                rows_v.at[b], acc_sh.at[dst_v.at[j]], ssem.at[b]).wait()

            @pl.when(r < NCHUNK // NBUF - 1)
            def _refill():
                pltpu.async_copy(
                    g_sh.at[src_v.at[j + NBUF]], rows_v.at[b], gsem.at[b])
        return carry

    lax.fori_loop(0, NCHUNK // NBUF, _round, 0)
    plsc.subcore_barrier()
    pltpu.sync_copy(acc_sh.at[pl.ds(sid * STRIPE, STRIPE)], buf_v)
    pltpu.sync_copy(buf_v, out_hbm.at[cid, pl.ds(sid * STRIPE, STRIPE)])


@functools.partial(
    pl.kernel,
    out_type=jax.ShapeDtypeStruct((NW, NPAD), jnp.float32),
    mesh=_sc_mesh,
    compiler_params=pltpu.CompilerParams(needs_layout_passes=False, use_tc_tiling_on_sc=False),
    scratch_types=[
        pltpu.VMEM((NCHUNK, C), jnp.int32),
        pltpu.VMEM((NCHUNK, C), jnp.int32),
        pltpu.VMEM((NPAD,), jnp.float32),
        pltpu.VMEM((NPAD,), jnp.float32),
    ],
)
def _sc_scalar(t_hbm, src_hbm, dst_hbm, outp_hbm, src_v, dst_v, t_v, o_v):
    cid = lax.axis_index("c")
    sid = lax.axis_index("s")
    wid = sid * 2 + cid
    pltpu.sync_copy(t_hbm, t_v)
    pltpu.sync_copy(src_hbm.at[wid], src_v)
    pltpu.sync_copy(dst_hbm.at[wid], dst_v)

    def _zero(i, carry):
        o_v[pl.ds(i * 16, 16)] = jnp.zeros((16,), jnp.float32)
        return carry

    lax.fori_loop(0, NPAD // 16, _zero, 0)

    def _outer(j, carry):
        for k in range(C // 16):
            s_idx = src_v[j, pl.ds(k * 16, 16)]
            d_idx = dst_v[j, pl.ds(k * 16, 16)]
            vals = plsc.load_gather(t_v, [s_idx])
            plsc.addupdate_scatter(o_v, [d_idx], vals)
        return carry

    lax.fori_loop(0, NCHUNK, _outer, 0)
    pltpu.sync_copy(o_v, outp_hbm.at[wid])



def _tc1_body(x_ref, w1_ref, degp_ref, dinv_ref, g_ref):
    deg = 1.0 + jnp.sum(degp_ref[...], axis=0)
    row = (lax.broadcasted_iota(jnp.int32, (80, 128), 0) * 128
           + lax.broadcasted_iota(jnp.int32, (80, 128), 1))
    y = lax.rsqrt(deg)
    y = y * (1.5 - 0.5 * deg * y * y)
    y = y * (1.5 - 0.5 * deg * y * y)
    dinv = jnp.where(row < N, y, 0.0)
    dinv_ref[...] = dinv
    h = lax.dot_general(x_ref[...].astype(jnp.bfloat16),
                        w1_ref[...].astype(jnp.bfloat16),
                        (((1,), (1,)), ((), ())),
                        preferred_element_type=jnp.float32)
    g_ref[...] = h.reshape(80, 128, D1) * dinv[..., None]


_tc1 = pl.pallas_call(
    _tc1_body,
    out_shape=[
        jax.ShapeDtypeStruct((80, 128), jnp.float32),
        jax.ShapeDtypeStruct((80, 128, D1), jnp.float32),
    ],
)


def _tc2_body(ap_ref, g_ref, dinv_ref, b1_ref, w2_ref, t_ref):
    a = ap_ref[0] + ap_ref[1] + g_ref[...]
    dinv = dinv_ref[...]
    h1 = jnp.maximum(b1_ref[...] + dinv[..., None] * a, 0.0)
    h1b = h1.astype(jnp.bfloat16).astype(jnp.float32)
    w2b = w2_ref[...].astype(jnp.bfloat16).astype(jnp.float32)
    t_ref[...] = jnp.sum(h1b * w2b, axis=-1) * dinv


_tc2 = pl.pallas_call(
    _tc2_body,
    out_shape=jax.ShapeDtypeStruct((80, 128), jnp.float32),
)


def _tc3_body(sp_ref, t_ref, dinv_ref, b2_ref, o_ref):
    ssum = jnp.sum(sp_ref[...], axis=0)
    o_ref[...] = b2_ref[...] + dinv_ref[...] * (ssum + t_ref[...])


_tc3 = pl.pallas_call(
    _tc3_body,
    out_shape=jax.ShapeDtypeStruct((80, 128), jnp.float32),
)



def kernel(x, edge_index, W1, b1, W2, b2):
    ei = edge_index.astype(jnp.int32)
    pad = jnp.full((2, EPAD - E), DUMMY, jnp.int32)
    ep = jnp.concatenate([ei, pad], axis=1).reshape(2, NW, NCHUNK, C)
    srcp, dstp = ep[0], ep[1]

    degp = _sc_degree(dstp)

    xpad = jnp.concatenate([x, jnp.zeros((NPAD - N, DIN), x.dtype)])
    dinv, g3 = _tc1(xpad, W1, degp.reshape(NW, 80, 128))

    ap = _sc_agg(g3.reshape(NPAD, D1), srcp, dstp)

    t = _tc2(ap.reshape(2, 80, 128, D1), g3, dinv,
             b1.reshape(1, 1, D1), W2.reshape(1, 1, D1))

    sp = _sc_scalar(t.reshape(NPAD), srcp, dstp)

    out = _tc3(sp.reshape(NW, 80, 128), t, dinv,
               b2.reshape(1, 1).astype(jnp.float32))
    return out.reshape(NPAD)[:N]

# --- scband reference (transcript-rebuilt; emitter-appended) ---
"""Pipeline reference for scband-sector-gnn-25821343383879 (READ-ONLY COPY).

The authoritative reference and input builder live on the scoring server;
editing this copy changes nothing except your own understanding.
"""

import jax, jax.numpy as jnp
import numpy as np

N_NODES = 10000

def gcn_conv(x, edge_index, W, b):
    n = x.shape[0]
    src = edge_index[0]
    dst = edge_index[1]
    loop = jnp.arange(n, dtype=edge_index.dtype)
    src = jnp.concatenate([src, loop])
    dst = jnp.concatenate([dst, loop])
    deg = jnp.zeros((n,), dtype=x.dtype).at[dst].add(1.0)
    deg_inv_sqrt = jnp.where(deg > 0, deg ** -0.5, 0.0)
    norm = deg_inv_sqrt[src] * deg_inv_sqrt[dst]
    h = x @ W.T
    msg = h[src] * norm[:, None]
    out = jnp.zeros((n, h.shape[1]), dtype=x.dtype).at[dst].add(msg)
    return out + b

def setup_inputs(seed: int = 0) -> dict:
    key = jax.random.key(seed)
    k1, k2, k3, k4, k5, k6 = jax.random.split(key, 6)
    x = jax.random.normal(k1, (N_NODES, 128), dtype=jnp.float32)
    edge_index = jax.random.randint(k2, (2, 320000), 0, N_NODES, dtype=jnp.int64)
    W1 = jax.random.normal(k3, (32, 128), dtype=jnp.float32) * (1.0 / np.sqrt(128))
    b1 = jnp.zeros((32,), dtype=jnp.float32)
    W2 = jax.random.normal(k4, (1, 32), dtype=jnp.float32) * (1.0 / np.sqrt(32))
    b2 = jnp.zeros((1,), dtype=jnp.float32)
    return {"x": x, "edge_index": edge_index, "W1": W1, "b1": b1, "W2": W2, "b2": b2}

def reference(x, edge_index, W1, b1, W2, b2):
    h = gcn_conv(x, edge_index, W1, b1)
    h = jax.nn.relu(h)
    h = gcn_conv(h, edge_index, W2, b2)
    return jnp.squeeze(h, axis=-1)

if __name__ == "__main__":
    import jax
    _d = setup_inputs()
    print(jax.jit(kernel)(*tuple(_d.values())))

</pallas_src>

<mosaic_0001>
#map = affine_map<(d0, d1) -> (0, 0, 0)>
#map1 = affine_map<(d0, d1) -> (0, 0)>
module attributes {stable_mosaic.version = 14 : i64} {
  func.func @_sc_degree(%arg0: i32, %arg1: i32, %arg2: memref<32x80x128xi32, #tpu.memory_space<hbm>>, %arg3: memref<32x10240xf32, #tpu.memory_space<hbm>>, %arg4: memref<80x128xi32, #tpu.memory_space<vmem>>, %arg5: memref<10240xf32, #tpu.memory_space<vmem>>) attributes {dimension_semantics = [#tpu.dimension_semantics<core_parallel>, #tpu.dimension_semantics<subcore_parallel>], iteration_bounds = array<i64: 2, 16>, scalar_prefetch = 0 : i64, scratch_operands = 2 : i64, tpu.core_type = #tpu.core_type<sc_vector_subcore>, window_params = [{transform_indices = #map}, {transform_indices = #map1}]} {
    %mul3A = arith.constant 2 : i32
    %mul3A_0 = arith.muli %arg1, %mul3A : i32
    %add3A = arith.addi %mul3A_0, %arg0 : i32
    "tpu.region"() ({
      %run_scoped3A = tpu.sem_alloc : memref<!tpu.dma_semaphore, #tpu.memory_space<semaphore_mem>>
      %dma_start3A = arith.constant 0 : i32
      %dma_start3A_13 = arith.constant 0 : i32
      %dma_start3A_14 = tpu.memref_slice %arg2[%add3A, %dma_start3A, %dma_start3A_13] : memref<32x80x128xi32, #tpu.memory_space<hbm>> -> memref<1x80x128xi32, #tpu.memory_space<hbm>>
      %dma_start3A_15 = tpu.memref_squeeze %dma_start3A_14 : memref<1x80x128xi32, #tpu.memory_space<hbm>> -> memref<80x128xi32, #tpu.memory_space<hbm>>
      %dma_start3A_16 = arith.constant 0 : i32
      %dma_start3A_17 = arith.constant 0 : i32
      %dma_start3A_18 = tpu.memref_slice %arg2[%add3A, %dma_start3A_16, %dma_start3A_17] : memref<32x80x128xi32, #tpu.memory_space<hbm>> -> memref<1x80x128xi32, #tpu.memory_space<hbm>>
      %dma_start3A_19 = tpu.memref_squeeze %dma_start3A_18 : memref<1x80x128xi32, #tpu.memory_space<hbm>> -> memref<80x128xi32, #tpu.memory_space<hbm>>
      tpu.enqueue_dma source(%dma_start3A_19 : memref<80x128xi32, #tpu.memory_space<hbm>>) target(%arg4 : memref<80x128xi32, #tpu.memory_space<vmem>>) target_semaphore(%run_scoped3A : memref<!tpu.dma_semaphore, #tpu.memory_space<semaphore_mem>>)
      %dma_wait3A = arith.constant 0 : i32
      %dma_wait3A_20 = arith.constant 0 : i32
      %dma_wait3A_21 = tpu.memref_slice %arg2[%add3A, %dma_wait3A, %dma_wait3A_20] : memref<32x80x128xi32, #tpu.memory_space<hbm>> -> memref<1x80x128xi32, #tpu.memory_space<hbm>>
      %dma_wait3A_22 = tpu.memref_squeeze %dma_wait3A_21 : memref<1x80x128xi32, #tpu.memory_space<hbm>> -> memref<80x128xi32, #tpu.memory_space<hbm>>
      %dma_wait3A_23 = arith.constant 0 : i32
      %dma_wait3A_24 = arith.constant 0 : i32
      %dma_wait3A_25 = tpu.memref_slice %arg2[%add3A, %dma_wait3A_23, %dma_wait3A_24] : memref<32x80x128xi32, #tpu.memory_space<hbm>> -> memref<1x80x128xi32, #tpu.memory_space<hbm>>
      %dma_wait3A_26 = tpu.memref_squeeze %dma_wait3A_25 : memref<1x80x128xi32, #tpu.memory_space<hbm>> -> memref<80x128xi32, #tpu.memory_space<hbm>>
      tpu.wait_dma2 semaphore(%run_scoped3A : memref<!tpu.dma_semaphore, #tpu.memory_space<semaphore_mem>>) src(%dma_wait3A_26 : memref<80x128xi32, #tpu.memory_space<hbm>>) dst(%arg4 : memref<80x128xi32, #tpu.memory_space<vmem>>)
      tpu.yield
    }) : () -> ()
    %scan3A = arith.constant 0 : i32
    %scan3A_1 = arith.constant 0 : i32
    %scan3A_2 = arith.constant 640 : i32
    %scan3A_3 = arith.addi %scan3A_1, %scan3A_2 : i32
    %scan3A_4 = arith.constant 1 : i32
    scf.for %scan3A_13 = %scan3A_1 to %scan3A_3 step %scan3A_4  : i32 {
      %broadcast_in_dim3A_14 = arith.constant 0.000000e+00 : f32
      %broadcast_in_dim3A_15 = vector.broadcast %broadcast_in_dim3A_14 : f32 to vector<16xf32>
      %mul3A_16 = arith.constant 16 : i32
      %mul3A_17 = arith.muli %scan3A_13, %mul3A_16 : i32
      %swap3A = arith.index_cast %mul3A_17 : i32 to index
      %swap3A_18 = tpu.vector_load %arg5[%swap3A] {strides = array<i32>} : memref<10240xf32, #tpu.memory_space<vmem>>, vector<16xf32>,
      tpu.vector_store %arg5[%swap3A], %broadcast_in_dim3A_15 {strides = array<i32>} : memref<10240xf32, #tpu.memory_space<vmem>>, vector<16xf32>,
    }
    %scan3A_5 = arith.constant 640 : i32
    %broadcast_in_dim3A = arith.constant 1.000000e+00 : f32
    %broadcast_in_dim3A_6 = vector.broadcast %broadcast_in_dim3A : f32 to vector<16xf32>
    %scan3A_7 = arith.constant 0 : i32
    %scan3A_8 = arith.constant 0 : i32
    %scan3A_9 = arith.constant 80 : i32
    %scan3A_10 = arith.addi %scan3A_8, %scan3A_9 : i32
    %scan3A_11 = arith.constant 1 : i32
    scf.for %scan3A_13 = %scan3A_8 to %scan3A_10 step %scan3A_11  : i32 {
      %get3A = arith.index_cast %scan3A_13 : i32 to index
      %get3A_14 = arith.constant 0 : index
      %get3A_15 = tpu.vector_load %arg4[%get3A, %get3A_14] {strides = array<i32>} : memref<80x128xi32, #tpu.memory_space<vmem>>, vector<16xi32>,
      tpu.vector_store_idx %arg5[%get3A_15], %broadcast_in_dim3A_6 {add = true} : memref<10240xf32, #tpu.memory_space<vmem>>[vector<16xi32>], vector<16xf32>,
      %get3A_16 = arith.index_cast %scan3A_13 : i32 to index
      %get3A_17 = arith.constant 16 : index
      %get3A_18 = tpu.vector_load %arg4[%get3A_16, %get3A_17] {strides = array<i32>} : memref<80x128xi32, #tpu.memory_space<vmem>>, vector<16xi32>,
      tpu.vector_store_idx %arg5[%get3A_18], %broadcast_in_dim3A_6 {add = true} : memref<10240xf32, #tpu.memory_space<vmem>>[vector<16xi32>], vector<16xf32>,
      %get3A_19 = arith.index_cast %scan3A_13 : i32 to index
      %get3A_20 = arith.constant 32 : index
      %get3A_21 = tpu.vector_load %arg4[%get3A_19, %get3A_20] {strides = array<i32>} : memref<80x128xi32, #tpu.memory_space<vmem>>, vector<16xi32>,
      tpu.vector_store_idx %arg5[%get3A_21], %broadcast_in_dim3A_6 {add = true} : memref<10240xf32, #tpu.memory_space<vmem>>[vector<16xi32>], vector<16xf32>,
      %get3A_22 = arith.index_cast %scan3A_13 : i32 to index
      %get3A_23 = arith.constant 48 : index
      %get3A_24 = tpu.vector_load %arg4[%get3A_22, %get3A_23] {strides = array<i32>} : memref<80x128xi32, #tpu.memory_space<vmem>>, vector<16xi32>,
      tpu.vector_store_idx %arg5[%get3A_24], %broadcast_in_dim3A_6 {add = true} : memref<10240xf32, #tpu.memory_space<vmem>>[vector<16xi32>], vector<16xf32>,
      %get3A_25 = arith.index_cast %scan3A_13 : i32 to index
      %get3A_26 = arith.constant 64 : index
      %get3A_27 = tpu.vector_load %arg4[%get3A_25, %get3A_26] {strides = array<i32>} : memref<80x128xi32, #tpu.memory_space<vmem>>, vector<16xi32>,
      tpu.vector_store_idx %arg5[%get3A_27], %broadcast_in_dim3A_6 {add = true} : memref<10240xf32, #tpu.memory_space<vmem>>[vector<16xi32>], vector<16xf32>,
      %get3A_28 = arith.index_cast %scan3A_13 : i32 to index
      %get3A_29 = arith.constant 80 : index
      %get3A_30 = tpu.vector_load %arg4[%get3A_28, %get3A_29] {strides = array<i32>} : memref<80x128xi32, #tpu.memory_space<vmem>>, vector<16xi32>,
      tpu.vector_store_idx %arg5[%get3A_30], %broadcast_in_dim3A_6 {add = true} : memref<10240xf32, #tpu.memory_space<vmem>>[vector<16xi32>], vector<16xf32>,
      %get3A_31 = arith.index_cast %scan3A_13 : i32 to index
      %get3A_32 = arith.constant 96 : index
      %get3A_33 = tpu.vector_load %arg4[%get3A_31, %get3A_32] {strides = array<i32>} : memref<80x128xi32, #tpu.memory_space<vmem>>, vector<16xi32>,
      tpu.vector_store_idx %arg5[%get3A_33], %broadcast_in_dim3A_6 {add = true} : memref<10240xf32, #tpu.memory_space<vmem>>[vector<16xi32>], vector<16xf32>,
      %get3A_34 = arith.index_cast %scan3A_13 : i32 to index
      %get3A_35 = arith.constant 112 : index
      %get3A_36 = tpu.vector_load %arg4[%get3A_34, %get3A_35] {strides = array<i32>} : memref<80x128xi32, #tpu.memory_space<vmem>>, vector<16xi32>,
      tpu.vector_store_idx %arg5[%get3A_36], %broadcast_in_dim3A_6 {add = true} : memref<10240xf32, #tpu.memory_space<vmem>>[vector<16xi32>], vector<16xf32>,
    }
    %scan3A_12 = arith.constant 80 : i32
    "tpu.region"() ({
      %run_scoped3A = tpu.sem_alloc : memref<!tpu.dma_semaphore, #tpu.memory_space<semaphore_mem>>
      %dma_start3A = arith.constant 0 : i32
      %dma_start3A_13 = tpu.memref_slice %arg3[%add3A, %dma_start3A] : memref<32x10240xf32, #tpu.memory_space<hbm>> -> memref<1x10240xf32, #tpu.memory_space<hbm>>
      %dma_start3A_14 = tpu.memref_squeeze %dma_start3A_13 : memref<1x10240xf32, #tpu.memory_space<hbm>> -> memref<10240xf32, #tpu.memory_space<hbm>>
      %dma_start3A_15 = arith.constant 0 : i32
      %dma_start3A_16 = tpu.memref_slice %arg3[%add3A, %dma_start3A_15] : memref<32x10240xf32, #tpu.memory_space<hbm>> -> memref<1x10240xf32, #tpu.memory_space<hbm>>
      %dma_start3A_17 = tpu.memref_squeeze %dma_start3A_16 : memref<1x10240xf32, #tpu.memory_space<hbm>> -> memref<10240xf32, #tpu.memory_space<hbm>>
      tpu.enqueue_dma source(%arg5 : memref<10240xf32, #tpu.memory_space<vmem>>) target(%dma_start3A_17 : memref<10240xf32, #tpu.memory_space<hbm>>) target_semaphore(%run_scoped3A : memref<!tpu.dma_semaphore, #tpu.memory_space<semaphore_mem>>)
      %dma_wait3A = arith.constant 0 : i32
      %dma_wait3A_18 = tpu.memref_slice %arg3[%add3A, %dma_wait3A] : memref<32x10240xf32, #tpu.memory_space<hbm>> -> memref<1x10240xf32, #tpu.memory_space<hbm>>
      %dma_wait3A_19 = tpu.memref_squeeze %dma_wait3A_18 : memref<1x10240xf32, #tpu.memory_space<hbm>> -> memref<10240xf32, #tpu.memory_space<hbm>>
      %dma_wait3A_20 = arith.constant 0 : i32
      %dma_wait3A_21 = tpu.memref_slice %arg3[%add3A, %dma_wait3A_20] : memref<32x10240xf32, #tpu.memory_space<hbm>> -> memref<1x10240xf32, #tpu.memory_space<hbm>>
      %dma_wait3A_22 = tpu.memref_squeeze %dma_wait3A_21 : memref<1x10240xf32, #tpu.memory_space<hbm>> -> memref<10240xf32, #tpu.memory_space<hbm>>
      tpu.wait_dma2 semaphore(%run_scoped3A : memref<!tpu.dma_semaphore, #tpu.memory_space<semaphore_mem>>) src(%arg5 : memref<10240xf32, #tpu.memory_space<vmem>>) dst(%dma_wait3A_22 : memref<10240xf32, #tpu.memory_space<hbm>>)
      tpu.yield
    }) : () -> ()
    return
  }
}

#map = affine_map<(d0, d1) -> (0, 0)>
#map1 = affine_map<(d0, d1) -> (0, 0, 0)>
module attributes {stable_mosaic.version = 14 : i64} {
  func.func @_sc_agg(%arg0: i32, %arg1: i32, %arg2: memref<10240x32xf32, #tpu.memory_space<hbm>>, %arg3: memref<32x80x128xi32, #tpu.memory_space<hbm>>, %arg4: memref<32x80x128xi32, #tpu.memory_space<hbm>>, %arg5: memref<2x10240x32xf32, #tpu.memory_space<hbm>>, %arg6: memref<80x128xi32, #tpu.memory_space<vmem>>, %arg7: memref<80x128xi32, #tpu.memory_space<vmem>>, %arg8: memref<8x128x32xf32, #tpu.memory_space<vmem>>, %arg9: memref<640x32xf32, #tpu.memory_space<vmem>>, %arg10: memref<10240x32xf32, #tpu.memory_space<vmem_shared>>, %arg11: memref<10240x32xf32, #tpu.memory_space<vmem_shared>>, %arg12: memref<8x!tpu.dma_semaphore, #tpu.memory_space<semaphore_mem>>, %arg13: memref<8x!tpu.dma_semaphore, #tpu.memory_space<semaphore_mem>>) attributes {dimension_semantics = [#tpu.dimension_semantics<core_parallel>, #tpu.dimension_semantics<subcore_parallel>], iteration_bounds = array<i64: 2, 16>, scalar_prefetch = 0 : i64, scratch_operands = 8 : i64, tpu.core_type = #tpu.core_type<sc_vector_subcore>, window_params = [{transform_indices = #map}, {transform_indices = #map1}, {transform_indices = #map1}, {transform_indices = #map1}]} {
    %mul3A = arith.constant 2 : i32
    %mul3A_0 = arith.muli %arg1, %mul3A : i32
    %add3A = arith.addi %mul3A_0, %arg0 : i32
    %mul3A_1 = arith.constant 640 : i32
    %mul3A_2 = arith.muli %arg1, %mul3A_1 : i32
    %mul3A_3 = arith.constant 640 : i32
    %mul3A_4 = arith.muli %arg1, %mul3A_3 : i32
    "tpu.region"() ({
      %run_scoped3A = tpu.sem_alloc : memref<!tpu.dma_semaphore, #tpu.memory_space<semaphore_mem>>
      %dma_start3A_143 = arith.constant 0 : i32
      %dma_start3A_144 = tpu.memref_slice %arg11[%mul3A_4, %dma_start3A_143] : memref<10240x32xf32, #tpu.memory_space<vmem_shared>> -> memref<640x32xf32, #tpu.memory_space<vmem_shared>>
      %dma_start3A_145 = arith.constant 0 : i32
      %dma_start3A_146 = tpu.memref_slice %arg2[%mul3A_2, %dma_start3A_145] : memref<10240x32xf32, #tpu.memory_space<hbm>> -> memref<640x32xf32, #tpu.memory_space<hbm>>
      tpu.enqueue_dma source(%dma_start3A_146 : memref<640x32xf32, #tpu.memory_space<hbm>>) target(%dma_start3A_144 : memref<640x32xf32, #tpu.memory_space<vmem_shared>>) target_semaphore(%run_scoped3A : memref<!tpu.dma_semaphore, #tpu.memory_space<semaphore_mem>>)
      %dma_wait3A = arith.constant 0 : i32
      %dma_wait3A_147 = tpu.memref_slice %arg11[%mul3A_4, %dma_wait3A] : memref<10240x32xf32, #tpu.memory_space<vmem_shared>> -> memref<640x32xf32, #tpu.memory_space<vmem_shared>>
      %dma_wait3A_148 = arith.constant 0 : i32
      %dma_wait3A_149 = tpu.memref_slice %arg2[%mul3A_2, %dma_wait3A_148] : memref<10240x32xf32, #tpu.memory_space<hbm>> -> memref<640x32xf32, #tpu.memory_space<hbm>>
      tpu.wait_dma2 semaphore(%run_scoped3A : memref<!tpu.dma_semaphore, #tpu.memory_space<semaphore_mem>>) src(%dma_wait3A_149 : memref<640x32xf32, #tpu.memory_space<hbm>>) dst(%dma_wait3A_147 : memref<640x32xf32, #tpu.memory_space<vmem_shared>>)
      tpu.yield
    }) : () -> ()
    %broadcast_in_dim3A = arith.constant 0.000000e+00 : f32
    %broadcast_in_dim3A_5 = vector.broadcast %broadcast_in_dim3A : f32 to vector<16xf32>
    %scan3A = arith.constant 0 : i32
    %scan3A_6 = arith.constant 0 : i32
    %scan3A_7 = arith.constant 640 : i32
    %scan3A_8 = arith.addi %scan3A_6, %scan3A_7 : i32
    %scan3A_9 = arith.constant 1 : i32
    scf.for %scan3A_143 = %scan3A_6 to %scan3A_8 step %scan3A_9  : i32 {
      %swap3A = arith.index_cast %scan3A_143 : i32 to index
      %swap3A_144 = arith.constant 0 : index
      %swap3A_145 = tpu.vector_load %arg9[%swap3A, %swap3A_144] {strides = array<i32>} : memref<640x32xf32, #tpu.memory_space<vmem>>, vector<16xf32>,
      tpu.vector_store %arg9[%swap3A, %swap3A_144], %broadcast_in_dim3A_5 {strides = array<i32>} : memref<640x32xf32, #tpu.memory_space<vmem>>, vector<16xf32>,
      %swap3A_146 = arith.index_cast %scan3A_143 : i32 to index
      %swap3A_147 = arith.constant 16 : index
      %swap3A_148 = tpu.vector_load %arg9[%swap3A_146, %swap3A_147] {strides = array<i32>} : memref<640x32xf32, #tpu.memory_space<vmem>>, vector<16xf32>,
      tpu.vector_store %arg9[%swap3A_146, %swap3A_147], %broadcast_in_dim3A_5 {strides = array<i32>} : memref<640x32xf32, #tpu.memory_space<vmem>>, vector<16xf32>,
    }
    %scan3A_10 = arith.constant 640 : i32
    %mul3A_11 = arith.constant 640 : i32
    %mul3A_12 = arith.muli %arg1, %mul3A_11 : i32
    "tpu.region"() ({
      %run_scoped3A = tpu.sem_alloc : memref<!tpu.dma_semaphore, #tpu.memory_space<semaphore_mem>>
      %dma_start3A_143 = arith.constant 0 : i32
      %dma_start3A_144 = tpu.memref_slice %arg10[%mul3A_12, %dma_start3A_143] : memref<10240x32xf32, #tpu.memory_space<vmem_shared>> -> memref<640x32xf32, #tpu.memory_space<vmem_shared>>
      %dma_start3A_145 = arith.constant 0 : i32
      %dma_start3A_146 = tpu.memref_slice %arg10[%mul3A_12, %dma_start3A_145] : memref<10240x32xf32, #tpu.memory_space<vmem_shared>> -> memref<640x32xf32, #tpu.memory_space<vmem_shared>>
      tpu.enqueue_dma source(%arg9 : memref<640x32xf32, #tpu.memory_space<vmem>>) target(%dma_start3A_146 : memref<640x32xf32, #tpu.memory_space<vmem_shared>>) target_semaphore(%run_scoped3A : memref<!tpu.dma_semaphore, #tpu.memory_space<semaphore_mem>>)
      %dma_wait3A = arith.constant 0 : i32
      %dma_wait3A_147 = tpu.memref_slice %arg10[%mul3A_12, %dma_wait3A] : memref<10240x32xf32, #tpu.memory_space<vmem_shared>> -> memref<640x32xf32, #tpu.memory_space<vmem_shared>>
      %dma_wait3A_148 = arith.constant 0 : i32
      %dma_wait3A_149 = tpu.memref_slice %arg10[%mul3A_12, %dma_wait3A_148] : memref<10240x32xf32, #tpu.memory_space<vmem_shared>> -> memref<640x32xf32, #tpu.memory_space<vmem_shared>>
      tpu.wait_dma2 semaphore(%run_scoped3A : memref<!tpu.dma_semaphore, #tpu.memory_space<semaphore_mem>>) src(%arg9 : memref<640x32xf32, #tpu.memory_space<vmem>>) dst(%dma_wait3A_149 : memref<640x32xf32, #tpu.memory_space<vmem_shared>>)
      tpu.yield
    }) : () -> ()
    "tpu.region"() ({
      %run_scoped3A = tpu.sem_alloc : memref<!tpu.dma_semaphore, #tpu.memory_space<semaphore_mem>>
      %dma_start3A_143 = arith.constant 0 : i32
      %dma_start3A_144 = arith.constant 0 : i32
      %dma_start3A_145 = tpu.memref_slice %arg3[%add3A, %dma_start3A_143, %dma_start3A_144] : memref<32x80x128xi32, #tpu.memory_space<hbm>> -> memref<1x80x128xi32, #tpu.memory_space<hbm>>
      %dma_start3A_146 = tpu.memref_squeeze %dma_start3A_145 : memref<1x80x128xi32, #tpu.memory_space<hbm>> -> memref<80x128xi32, #tpu.memory_space<hbm>>
      %dma_start3A_147 = arith.constant 0 : i32
      %dma_start3A_148 = arith.constant 0 : i32
      %dma_start3A_149 = tpu.memref_slice %arg3[%add3A, %dma_start3A_147, %dma_start3A_148] : memref<32x80x128xi32, #tpu.memory_space<hbm>> -> memref<1x80x128xi32, #tpu.memory_space<hbm>>
      %dma_start3A_150 = tpu.memref_squeeze %dma_start3A_149 : memref<1x80x128xi32, #tpu.memory_space<hbm>> -> memref<80x128xi32, #tpu.memory_space<hbm>>
      tpu.enqueue_dma source(%dma_start3A_150 : memref<80x128xi32, #tpu.memory_space<hbm>>) target(%arg6 : memref<80x128xi32, #tpu.memory_space<vmem>>) target_semaphore(%run_scoped3A : memref<!tpu.dma_semaphore, #tpu.memory_space<semaphore_mem>>)
      %dma_wait3A = arith.constant 0 : i32
      %dma_wait3A_151 = arith.constant 0 : i32
      %dma_wait3A_152 = tpu.memref_slice %arg3[%add3A, %dma_wait3A, %dma_wait3A_151] : memref<32x80x128xi32, #tpu.memory_space<hbm>> -> memref<1x80x128xi32, #tpu.memory_space<hbm>>
      %dma_wait3A_153 = tpu.memref_squeeze %dma_wait3A_152 : memref<1x80x128xi32, #tpu.memory_space<hbm>> -> memref<80x128xi32, #tpu.memory_space<hbm>>
      %dma_wait3A_154 = arith.constant 0 : i32
      %dma_wait3A_155 = arith.constant 0 : i32
      %dma_wait3A_156 = tpu.memref_slice %arg3[%add3A, %dma_wait3A_154, %dma_wait3A_155] : memref<32x80x128xi32, #tpu.memory_space<hbm>> -> memref<1x80x128xi32, #tpu.memory_space<hbm>>
      %dma_wait3A_157 = tpu.memref_squeeze %dma_wait3A_156 : memref<1x80x128xi32, #tpu.memory_space<hbm>> -> memref<80x128xi32, #tpu.memory_space<hbm>>
      tpu.wait_dma2 semaphore(%run_scoped3A : memref<!tpu.dma_semaphore, #tpu.memory_space<semaphore_mem>>) src(%dma_wait3A_157 : memref<80x128xi32, #tpu.memory_space<hbm>>) dst(%arg6 : memref<80x128xi32, #tpu.memory_space<vmem>>)
      tpu.yield
    }) : () -> ()
    "tpu.region"() ({
      %run_scoped3A = tpu.sem_alloc : memref<!tpu.dma_semaphore, #tpu.memory_space<semaphore_mem>>
      %dma_start3A_143 = arith.constant 0 : i32
      %dma_start3A_144 = arith.constant 0 : i32
      %dma_start3A_145 = tpu.memref_slice %arg4[%add3A, %dma_start3A_143, %dma_start3A_144] : memref<32x80x128xi32, #tpu.memory_space<hbm>> -> memref<1x80x128xi32, #tpu.memory_space<hbm>>
      %dma_start3A_146 = tpu.memref_squeeze %dma_start3A_145 : memref<1x80x128xi32, #tpu.memory_space<hbm>> -> memref<80x128xi32, #tpu.memory_space<hbm>>
      %dma_start3A_147 = arith.constant 0 : i32
      %dma_start3A_148 = arith.constant 0 : i32
      %dma_start3A_149 = tpu.memref_slice %arg4[%add3A, %dma_start3A_147, %dma_start3A_148] : memref<32x80x128xi32, #tpu.memory_space<hbm>> -> memref<1x80x128xi32, #tpu.memory_space<hbm>>
      %dma_start3A_150 = tpu.memref_squeeze %dma_start3A_149 : memref<1x80x128xi32, #tpu.memory_space<hbm>> -> memref<80x128xi32, #tpu.memory_space<hbm>>
      tpu.enqueue_dma source(%dma_start3A_150 : memref<80x128xi32, #tpu.memory_space<hbm>>) target(%arg7 : memref<80x128xi32, #tpu.memory_space<vmem>>) target_semaphore(%run_scoped3A : memref<!tpu.dma_semaphore, #tpu.memory_space<semaphore_mem>>)
      %dma_wait3A = arith.constant 0 : i32
      %dma_wait3A_151 = arith.constant 0 : i32
      %dma_wait3A_152 = tpu.memref_slice %arg4[%add3A, %dma_wait3A, %dma_wait3A_151] : memref<32x80x128xi32, #tpu.memory_space<hbm>> -> memref<1x80x128xi32, #tpu.memory_space<hbm>>
      %dma_wait3A_153 = tpu.memref_squeeze %dma_wait3A_152 : memref<1x80x128xi32, #tpu.memory_space<hbm>> -> memref<80x128xi32, #tpu.memory_space<hbm>>
      %dma_wait3A_154 = arith.constant 0 : i32
      %dma_wait3A_155 = arith.constant 0 : i32
      %dma_wait3A_156 = tpu.memref_slice %arg4[%add3A, %dma_wait3A_154, %dma_wait3A_155] : memref<32x80x128xi32, #tpu.memory_space<hbm>> -> memref<1x80x128xi32, #tpu.memory_space<hbm>>
      %dma_wait3A_157 = tpu.memref_squeeze %dma_wait3A_156 : memref<1x80x128xi32, #tpu.memory_space<hbm>> -> memref<80x128xi32, #tpu.memory_space<hbm>>
      tpu.wait_dma2 semaphore(%run_scoped3A : memref<!tpu.dma_semaphore, #tpu.memory_space<semaphore_mem>>) src(%dma_wait3A_157 : memref<80x128xi32, #tpu.memory_space<hbm>>) dst(%arg7 : memref<80x128xi32, #tpu.memory_space<vmem>>)
      tpu.yield
    }) : () -> ()
    %barrier3A = arith.constant 0 : index
    tpu.barrier barrier_id(%barrier3A)
    %dma_start3A = arith.constant 0 : i32
    %dma_start3A_13 = arith.constant 0 : i32
    %dma_start3A_14 = arith.constant 0 : i32
    %dma_start3A_15 = arith.constant 0 : i32
    %dma_start3A_16 = arith.constant 0 : i32
    %dma_start3A_17 = tpu.memref_slice %arg8[%dma_start3A_13, %dma_start3A_15, %dma_start3A_16] : memref<8x128x32xf32, #tpu.memory_space<vmem>> -> memref<1x128x32xf32, #tpu.memory_space<vmem>>
    %dma_start3A_18 = tpu.memref_squeeze %dma_start3A_17 : memref<1x128x32xf32, #tpu.memory_space<vmem>> -> memref<128x32xf32, #tpu.memory_space<vmem>>
    %dma_start3A_19 = arith.constant 0 : i32
    %dma_start3A_20 = tpu.memref_slice %arg6[%dma_start3A, %dma_start3A_19] : memref<80x128xi32, #tpu.memory_space<vmem>> -> memref<1x128xi32, #tpu.memory_space<vmem>>
    %dma_start3A_21 = tpu.memref_squeeze %dma_start3A_20 : memref<1x128xi32, #tpu.memory_space<vmem>> -> memref<128xi32, #tpu.memory_space<vmem>>
    %dma_start3A_22 = arith.constant 0 : i32
    %dma_start3A_23 = arith.constant 0 : i32
    %dma_start3A_24 = tpu.memref_slice %arg11[%dma_start3A_22, %dma_start3A_23] : memref<10240x32xf32, #tpu.memory_space<vmem_shared>> -> memref<10240x32xf32, #tpu.memory_space<vmem_shared>>
    %dma_start3A_25 = tpu.memref_slice %arg12[%dma_start3A_14] : memref<8x!tpu.dma_semaphore, #tpu.memory_space<semaphore_mem>> -> memref<1x!tpu.dma_semaphore, #tpu.memory_space<semaphore_mem>>
    %dma_start3A_26 = tpu.memref_squeeze %dma_start3A_25 : memref<1x!tpu.dma_semaphore, #tpu.memory_space<semaphore_mem>> -> memref<!tpu.dma_semaphore, #tpu.memory_space<semaphore_mem>>
    tpu.enqueue_indirect_dma source(%dma_start3A_24 : memref<10240x32xf32, #tpu.memory_space<vmem_shared>>) target(%dma_start3A_18 : memref<128x32xf32, #tpu.memory_space<vmem>>) offsets(%dma_start3A_21 : memref<128xi32, #tpu.memory_space<vmem>>) semaphore(%dma_start3A_26 : memref<!tpu.dma_semaphore, #tpu.memory_space<semaphore_mem>>)
    %dma_start3A_27 = arith.constant 1 : i32
    %dma_start3A_28 = arith.constant 1 : i32
    %dma_start3A_29 = arith.constant 1 : i32
    %dma_start3A_30 = arith.constant 0 : i32
    %dma_start3A_31 = arith.constant 0 : i32
    %dma_start3A_32 = tpu.memref_slice %arg8[%dma_start3A_28, %dma_start3A_30, %dma_start3A_31] : memref<8x128x32xf32, #tpu.memory_space<vmem>> -> memref<1x128x32xf32, #tpu.memory_space<vmem>>
    %dma_start3A_33 = tpu.memref_squeeze %dma_start3A_32 : memref<1x128x32xf32, #tpu.memory_space<vmem>> -> memref<128x32xf32, #tpu.memory_space<vmem>>
    %dma_start3A_34 = arith.constant 0 : i32
    %dma_start3A_35 = tpu.memref_slice %arg6[%dma_start3A_27, %dma_start3A_34] : memref<80x128xi32, #tpu.memory_space<vmem>> -> memref<1x128xi32, #tpu.memory_space<vmem>>
    %dma_start3A_36 = tpu.memref_squeeze %dma_start3A_35 : memref<1x128xi32, #tpu.memory_space<vmem>> -> memref<128xi32, #tpu.memory_space<vmem>>
    %dma_start3A_37 = arith.constant 0 : i32
    %dma_start3A_38 = arith.constant 0 : i32
    %dma_start3A_39 = tpu.memref_slice %arg11[%dma_start3A_37, %dma_start3A_38] : memref<10240x32xf32, #tpu.memory_space<vmem_shared>> -> memref<10240x32xf32, #tpu.memory_space<vmem_shared>>
    %dma_start3A_40 = tpu.memref_slice %arg12[%dma_start3A_29] : memref<8x!tpu.dma_semaphore, #tpu.memory_space<semaphore_mem>> -> memref<1x!tpu.dma_semaphore, #tpu.memory_space<semaphore_mem>>
    %dma_start3A_41 = tpu.memref_squeeze %dma_start3A_40 : memref<1x!tpu.dma_semaphore, #tpu.memory_space<semaphore_mem>> -> memref<!tpu.dma_semaphore, #tpu.memory_space<semaphore_mem>>
    tpu.enqueue_indirect_dma source(%dma_start3A_39 : memref<10240x32xf32, #tpu.memory_space<vmem_shared>>) target(%dma_start3A_33 : memref<128x32xf32, #tpu.memory_space<vmem>>) offsets(%dma_start3A_36 : memref<128xi32, #tpu.memory_space<vmem>>) semaphore(%dma_start3A_41 : memref<!tpu.dma_semaphore, #tpu.memory_space<semaphore_mem>>)
    %dma_start3A_42 = arith.constant 2 : i32
    %dma_start3A_43 = arith.constant 2 : i32
    %dma_start3A_44 = arith.constant 2 : i32
    %dma_start3A_45 = arith.constant 0 : i32
    %dma_start3A_46 = arith.constant 0 : i32
    %dma_start3A_47 = tpu.memref_slice %arg8[%dma_start3A_43, %dma_start3A_45, %dma_start3A_46] : memref<8x128x32xf32, #tpu.memory_space<vmem>> -> memref<1x128x32xf32, #tpu.memory_space<vmem>>
    %dma_start3A_48 = tpu.memref_squeeze %dma_start3A_47 : memref<1x128x32xf32, #tpu.memory_space<vmem>> -> memref<128x32xf32, #tpu.memory_space<vmem>>
    %dma_start3A_49 = arith.constant 0 : i32
    %dma_start3A_50 = tpu.memref_slice %arg6[%dma_start3A_42, %dma_start3A_49] : memref<80x128xi32, #tpu.memory_space<vmem>> -> memref<1x128xi32, #tpu.memory_space<vmem>>
    %dma_start3A_51 = tpu.memref_squeeze %dma_start3A_50 : memref<1x128xi32, #tpu.memory_space<vmem>> -> memref<128xi32, #tpu.memory_space<vmem>>
    %dma_start3A_52 = arith.constant 0 : i32
    %dma_start3A_53 = arith.constant 0 : i32
    %dma_start3A_54 = tpu.memref_slice %arg11[%dma_start3A_52, %dma_start3A_53] : memref<10240x32xf32, #tpu.memory_space<vmem_shared>> -> memref<10240x32xf32, #tpu.memory_space<vmem_shared>>
    %dma_start3A_55 = tpu.memref_slice %arg12[%dma_start3A_44] : memref<8x!tpu.dma_semaphore, #tpu.memory_space<semaphore_mem>> -> memref<1x!tpu.dma_semaphore, #tpu.memory_space<semaphore_mem>>
    %dma_start3A_56 = tpu.memref_squeeze %dma_start3A_55 : memref<1x!tpu.dma_semaphore, #tpu.memory_space<semaphore_mem>> -> memref<!tpu.dma_semaphore, #tpu.memory_space<semaphore_mem>>
    tpu.enqueue_indirect_dma source(%dma_start3A_54 : memref<10240x32xf32, #tpu.memory_space<vmem_shared>>) target(%dma_start3A_48 : memref<128x32xf32, #tpu.memory_space<vmem>>) offsets(%dma_start3A_51 : memref<128xi32, #tpu.memory_space<vmem>>) semaphore(%dma_start3A_56 : memref<!tpu.dma_semaphore, #tpu.memory_space<semaphore_mem>>)
    %dma_start3A_57 = arith.constant 3 : i32
    %dma_start3A_58 = arith.constant 3 : i32
    %dma_start3A_59 = arith.constant 3 : i32
    %dma_start3A_60 = arith.constant 0 : i32
    %dma_start3A_61 = arith.constant 0 : i32
    %dma_start3A_62 = tpu.memref_slice %arg8[%dma_start3A_58, %dma_start3A_60, %dma_start3A_61] : memref<8x128x32xf32, #tpu.memory_space<vmem>> -> memref<1x128x32xf32, #tpu.memory_space<vmem>>
    %dma_start3A_63 = tpu.memref_squeeze %dma_start3A_62 : memref<1x128x32xf32, #tpu.memory_space<vmem>> -> memref<128x32xf32, #tpu.memory_space<vmem>>
    %dma_start3A_64 = arith.constant 0 : i32
    %dma_start3A_65 = tpu.memref_slice %arg6[%dma_start3A_57, %dma_start3A_64] : memref<80x128xi32, #tpu.memory_space<vmem>> -> memref<1x128xi32, #tpu.memory_space<vmem>>
    %dma_start3A_66 = tpu.memref_squeeze %dma_start3A_65 : memref<1x128xi32, #tpu.memory_space<vmem>> -> memref<128xi32, #tpu.memory_space<vmem>>
    %dma_start3A_67 = arith.constant 0 : i32
    %dma_start3A_68 = arith.constant 0 : i32
    %dma_start3A_69 = tpu.memref_slice %arg11[%dma_start3A_67, %dma_start3A_68] : memref<10240x32xf32, #tpu.memory_space<vmem_shared>> -> memref<10240x32xf32, #tpu.memory_space<vmem_shared>>
    %dma_start3A_70 = tpu.memref_slice %arg12[%dma_start3A_59] : memref<8x!tpu.dma_semaphore, #tpu.memory_space<semaphore_mem>> -> memref<1x!tpu.dma_semaphore, #tpu.memory_space<semaphore_mem>>
    %dma_start3A_71 = tpu.memref_squeeze %dma_start3A_70 : memref<1x!tpu.dma_semaphore, #tpu.memory_space<semaphore_mem>> -> memref<!tpu.dma_semaphore, #tpu.memory_space<semaphore_mem>>
    tpu.enqueue_indirect_dma source(%dma_start3A_69 : memref<10240x32xf32, #tpu.memory_space<vmem_shared>>) target(%dma_start3A_63 : memref<128x32xf32, #tpu.memory_space<vmem>>) offsets(%dma_start3A_66 : memref<128xi32, #tpu.memory_space<vmem>>) semaphore(%dma_start3A_71 : memref<!tpu.dma_semaphore, #tpu.memory_space<semaphore_mem>>)
    %dma_start3A_72 = arith.constant 4 : i32
    %dma_start3A_73 = arith.constant 4 : i32
    %dma_start3A_74 = arith.constant 4 : i32
    %dma_start3A_75 = arith.constant 0 : i32
    %dma_start3A_76 = arith.constant 0 : i32
    %dma_start3A_77 = tpu.memref_slice %arg8[%dma_start3A_73, %dma_start3A_75, %dma_start3A_76] : memref<8x128x32xf32, #tpu.memory_space<vmem>> -> memref<1x128x32xf32, #tpu.memory_space<vmem>>
    %dma_start3A_78 = tpu.memref_squeeze %dma_start3A_77 : memref<1x128x32xf32, #tpu.memory_space<vmem>> -> memref<128x32xf32, #tpu.memory_space<vmem>>
    %dma_start3A_79 = arith.constant 0 : i32
    %dma_start3A_80 = tpu.memref_slice %arg6[%dma_start3A_72, %dma_start3A_79] : memref<80x128xi32, #tpu.memory_space<vmem>> -> memref<1x128xi32, #tpu.memory_space<vmem>>
    %dma_start3A_81 = tpu.memref_squeeze %dma_start3A_80 : memref<1x128xi32, #tpu.memory_space<vmem>> -> memref<128xi32, #tpu.memory_space<vmem>>
    %dma_start3A_82 = arith.constant 0 : i32
    %dma_start3A_83 = arith.constant 0 : i32
    %dma_start3A_84 = tpu.memref_slice %arg11[%dma_start3A_82, %dma_start3A_83] : memref<10240x32xf32, #tpu.memory_space<vmem_shared>> -> memref<10240x32xf32, #tpu.memory_space<vmem_shared>>
    %dma_start3A_85 = tpu.memref_slice %arg12[%dma_start3A_74] : memref<8x!tpu.dma_semaphore, #tpu.memory_space<semaphore_mem>> -> memref<1x!tpu.dma_semaphore, #tpu.memory_space<semaphore_mem>>
    %dma_start3A_86 = tpu.memref_squeeze %dma_start3A_85 : memref<1x!tpu.dma_semaphore, #tpu.memory_space<semaphore_mem>> -> memref<!tpu.dma_semaphore, #tpu.memory_space<semaphore_mem>>
    tpu.enqueue_indirect_dma source(%dma_start3A_84 : memref<10240x32xf32, #tpu.memory_space<vmem_shared>>) target(%dma_start3A_78 : memref<128x32xf32, #tpu.memory_space<vmem>>) offsets(%dma_start3A_81 : memref<128xi32, #tpu.memory_space<vmem>>) semaphore(%dma_start3A_86 : memref<!tpu.dma_semaphore, #tpu.memory_space<semaphore_mem>>)
    %dma_start3A_87 = arith.constant 5 : i32
    %dma_start3A_88 = arith.constant 5 : i32
    %dma_start3A_89 = arith.constant 5 : i32
    %dma_start3A_90 = arith.constant 0 : i32
    %dma_start3A_91 = arith.constant 0 : i32
    %dma_start3A_92 = tpu.memref_slice %arg8[%dma_start3A_88, %dma_start3A_90, %dma_start3A_91] : memref<8x128x32xf32, #tpu.memory_space<vmem>> -> memref<1x128x32xf32, #tpu.memory_space<vmem>>
    %dma_start3A_93 = tpu.memref_squeeze %dma_start3A_92 : memref<1x128x32xf32, #tpu.memory_space<vmem>> -> memref<128x32xf32, #tpu.memory_space<vmem>>
    %dma_start3A_94 = arith.constant 0 : i32
    %dma_start3A_95 = tpu.memref_slice %arg6[%dma_start3A_87, %dma_start3A_94] : memref<80x128xi32, #tpu.memory_space<vmem>> -> memref<1x128xi32, #tpu.memory_space<vmem>>
    %dma_start3A_96 = tpu.memref_squeeze %dma_start3A_95 : memref<1x128xi32, #tpu.memory_space<vmem>> -> memref<128xi32, #tpu.memory_space<vmem>>
    %dma_start3A_97 = arith.constant 0 : i32
    %dma_start3A_98 = arith.constant 0 : i32
    %dma_start3A_99 = tpu.memref_slice %arg11[%dma_start3A_97, %dma_start3A_98] : memref<10240x32xf32, #tpu.memory_space<vmem_shared>> -> memref<10240x32xf32, #tpu.memory_space<vmem_shared>>
    %dma_start3A_100 = tpu.memref_slice %arg12[%dma_start3A_89] : memref<8x!tpu.dma_semaphore, #tpu.memory_space<semaphore_mem>> -> memref<1x!tpu.dma_semaphore, #tpu.memory_space<semaphore_mem>>
    %dma_start3A_101 = tpu.memref_squeeze %dma_start3A_100 : memref<1x!tpu.dma_semaphore, #tpu.memory_space<semaphore_mem>> -> memref<!tpu.dma_semaphore, #tpu.memory_space<semaphore_mem>>
    tpu.enqueue_indirect_dma source(%dma_start3A_99 : memref<10240x32xf32, #tpu.memory_space<vmem_shared>>) target(%dma_start3A_93 : memref<128x32xf32, #tpu.memory_space<vmem>>) offsets(%dma_start3A_96 : memref<128xi32, #tpu.memory_space<vmem>>) semaphore(%dma_start3A_101 : memref<!tpu.dma_semaphore, #tpu.memory_space<semaphore_mem>>)
    %dma_start3A_102 = arith.constant 6 : i32
    %dma_start3A_103 = arith.constant 6 : i32
    %dma_start3A_104 = arith.constant 6 : i32
    %dma_start3A_105 = arith.constant 0 : i32
    %dma_start3A_106 = arith.constant 0 : i32
    %dma_start3A_107 = tpu.memref_slice %arg8[%dma_start3A_103, %dma_start3A_105, %dma_start3A_106] : memref<8x128x32xf32, #tpu.memory_space<vmem>> -> memref<1x128x32xf32, #tpu.memory_space<vmem>>
    %dma_start3A_108 = tpu.memref_squeeze %dma_start3A_107 : memref<1x128x32xf32, #tpu.memory_space<vmem>> -> memref<128x32xf32, #tpu.memory_space<vmem>>
    %dma_start3A_109 = arith.constant 0 : i32
    %dma_start3A_110 = tpu.memref_slice %arg6[%dma_start3A_102, %dma_start3A_109] : memref<80x128xi32, #tpu.memory_space<vmem>> -> memref<1x128xi32, #tpu.memory_space<vmem>>
    %dma_start3A_111 = tpu.memref_squeeze %dma_start3A_110 : memref<1x128xi32, #tpu.memory_space<vmem>> -> memref<128xi32, #tpu.memory_space<vmem>>
    %dma_start3A_112 = arith.constant 0 : i32
    %dma_start3A_113 = arith.constant 0 : i32
    %dma_start3A_114 = tpu.memref_slice %arg11[%dma_start3A_112, %dma_start3A_113] : memref<10240x32xf32, #tpu.memory_space<vmem_shared>> -> memref<10240x32xf32, #tpu.memory_space<vmem_shared>>
    %dma_start3A_115 = tpu.memref_slice %arg12[%dma_start3A_104] : memref<8x!tpu.dma_semaphore, #tpu.memory_space<semaphore_mem>> -> memref<1x!tpu.dma_semaphore, #tpu.memory_space<semaphore_mem>>
    %dma_start3A_116 = tpu.memref_squeeze %dma_start3A_115 : memref<1x!tpu.dma_semaphore, #tpu.memory_space<semaphore_mem>> -> memref<!tpu.dma_semaphore, #tpu.memory_space<semaphore_mem>>
    tpu.enqueue_indirect_dma source(%dma_start3A_114 : memref<10240x32xf32, #tpu.memory_space<vmem_shared>>) target(%dma_start3A_108 : memref<128x32xf32, #tpu.memory_space<vmem>>) offsets(%dma_start3A_111 : memref<128xi32, #tpu.memory_space<vmem>>) semaphore(%dma_start3A_116 : memref<!tpu.dma_semaphore, #tpu.memory_space<semaphore_mem>>)
    %dma_start3A_117 = arith.constant 7 : i32
    %dma_start3A_118 = arith.constant 7 : i32
    %dma_start3A_119 = arith.constant 7 : i32
    %dma_start3A_120 = arith.constant 0 : i32
    %dma_start3A_121 = arith.constant 0 : i32
    %dma_start3A_122 = tpu.memref_slice %arg8[%dma_start3A_118, %dma_start3A_120, %dma_start3A_121] : memref<8x128x32xf32, #tpu.memory_space<vmem>> -> memref<1x128x32xf32, #tpu.memory_space<vmem>>
    %dma_start3A_123 = tpu.memref_squeeze %dma_start3A_122 : memref<1x128x32xf32, #tpu.memory_space<vmem>> -> memref<128x32xf32, #tpu.memory_space<vmem>>
    %dma_start3A_124 = arith.constant 0 : i32
    %dma_start3A_125 = tpu.memref_slice %arg6[%dma_start3A_117, %dma_start3A_124] : memref<80x128xi32, #tpu.memory_space<vmem>> -> memref<1x128xi32, #tpu.memory_space<vmem>>
    %dma_start3A_126 = tpu.memref_squeeze %dma_start3A_125 : memref<1x128xi32, #tpu.memory_space<vmem>> -> memref<128xi32, #tpu.memory_space<vmem>>
    %dma_start3A_127 = arith.constant 0 : i32
    %dma_start3A_128 = arith.constant 0 : i32
    %dma_start3A_129 = tpu.memref_slice %arg11[%dma_start3A_127, %dma_start3A_128] : memref<10240x32xf32, #tpu.memory_space<vmem_shared>> -> memref<10240x32xf32, #tpu.memory_space<vmem_shared>>
    %dma_start3A_130 = tpu.memref_slice %arg12[%dma_start3A_119] : memref<8x!tpu.dma_semaphore, #tpu.memory_space<semaphore_mem>> -> memref<1x!tpu.dma_semaphore, #tpu.memory_space<semaphore_mem>>
    %dma_start3A_131 = tpu.memref_squeeze %dma_start3A_130 : memref<1x!tpu.dma_semaphore, #tpu.memory_space<semaphore_mem>> -> memref<!tpu.dma_semaphore, #tpu.memory_space<semaphore_mem>>
    tpu.enqueue_indirect_dma source(%dma_start3A_129 : memref<10240x32xf32, #tpu.memory_space<vmem_shared>>) target(%dma_start3A_123 : memref<128x32xf32, #tpu.memory_space<vmem>>) offsets(%dma_start3A_126 : memref<128xi32, #tpu.memory_space<vmem>>) semaphore(%dma_start3A_131 : memref<!tpu.dma_semaphore, #tpu.memory_space<semaphore_mem>>)
    %scan3A_132 = arith.constant 0 : i32
    %scan3A_133 = arith.constant 0 : i32
    %scan3A_134 = arith.constant 10 : i32
    %scan3A_135 = arith.addi %scan3A_133, %scan3A_134 : i32
    %scan3A_136 = arith.constant 1 : i32
    scf.for %scan3A_143 = %scan3A_133 to %scan3A_135 step %scan3A_136  : i32 {
      %mul3A_144 = arith.constant 8 : i32
      %mul3A_145 = arith.muli %scan3A_143, %mul3A_144 : i32
      %add3A_146 = arith.constant 0 : i32
      %add3A_147 = arith.addi %mul3A_145, %add3A_146 : i32
      %dma_wait3A = arith.constant 0 : i32
      %dma_wait3A_148 = arith.constant 0 : i32
      %dma_wait3A_149 = arith.constant 0 : i32
      %dma_wait3A_150 = arith.constant 0 : i32
      %dma_wait3A_151 = tpu.memref_slice %arg8[%dma_wait3A, %dma_wait3A_149, %dma_wait3A_150] : memref<8x128x32xf32, #tpu.memory_space<vmem>> -> memref<1x128x32xf32, #tpu.memory_space<vmem>>
      %dma_wait3A_152 = tpu.memref_squeeze %dma_wait3A_151 : memref<1x128x32xf32, #tpu.memory_space<vmem>> -> memref<128x32xf32, #tpu.memory_space<vmem>>
      %dma_wait3A_153 = arith.constant 0 : i32
      %dma_wait3A_154 = tpu.memref_slice %arg6[%add3A_147, %dma_wait3A_153] : memref<80x128xi32, #tpu.memory_space<vmem>> -> memref<1x128xi32, #tpu.memory_space<vmem>>
      %dma_wait3A_155 = tpu.memref_squeeze %dma_wait3A_154 : memref<1x128xi32, #tpu.memory_space<vmem>> -> memref<128xi32, #tpu.memory_space<vmem>>
      %dma_wait3A_156 = arith.constant 0 : i32
      %dma_wait3A_157 = arith.constant 0 : i32
      %dma_wait3A_158 = tpu.memref_slice %arg11[%dma_wait3A_156, %dma_wait3A_157] : memref<10240x32xf32, #tpu.memory_space<vmem_shared>> -> memref<10240x32xf32, #tpu.memory_space<vmem_shared>>
      %dma_wait3A_159 = tpu.memref_slice %arg12[%dma_wait3A_148] : memref<8x!tpu.dma_semaphore, #tpu.memory_space<semaphore_mem>> -> memref<1x!tpu.dma_semaphore, #tpu.memory_space<semaphore_mem>>
      %dma_wait3A_160 = tpu.memref_squeeze %dma_wait3A_159 : memref<1x!tpu.dma_semaphore, #tpu.memory_space<semaphore_mem>> -> memref<!tpu.dma_semaphore, #tpu.memory_space<semaphore_mem>>
      tpu.wait_indirect_dma semaphore(%dma_wait3A_160 : memref<!tpu.dma_semaphore, #tpu.memory_space<semaphore_mem>>) src(%dma_wait3A_158 : memref<10240x32xf32, #tpu.memory_space<vmem_shared>>) dst(%dma_wait3A_152 : memref<128x32xf32, #tpu.memory_space<vmem>>)
      %dma_start3A_161 = arith.constant 0 : i32
      %dma_start3A_162 = arith.constant 0 : i32
      %dma_start3A_163 = arith.constant 0 : i32
      %dma_start3A_164 = arith.constant 0 : i32
      %dma_start3A_165 = tpu.memref_slice %arg8[%dma_start3A_161, %dma_start3A_163, %dma_start3A_164] : memref<8x128x32xf32, #tpu.memory_space<vmem>> -> memref<1x128x32xf32, #tpu.memory_space<vmem>>
      %dma_start3A_166 = tpu.memref_squeeze %dma_start3A_165 : memref<1x128x32xf32, #tpu.memory_space<vmem>> -> memref<128x32xf32, #tpu.memory_space<vmem>>
      %dma_start3A_167 = arith.constant 0 : i32
      %dma_start3A_168 = tpu.memref_slice %arg7[%add3A_147, %dma_start3A_167] : memref<80x128xi32, #tpu.memory_space<vmem>> -> memref<1x128xi32, #tpu.memory_space<vmem>>
      %dma_start3A_169 = tpu.memref_squeeze %dma_start3A_168 : memref<1x128xi32, #tpu.memory_space<vmem>> -> memref<128xi32, #tpu.memory_space<vmem>>
      %dma_start3A_170 = arith.constant 0 : i32
      %dma_start3A_171 = arith.constant 0 : i32
      %dma_start3A_172 = tpu.memref_slice %arg10[%dma_start3A_170, %dma_start3A_171] : memref<10240x32xf32, #tpu.memory_space<vmem_shared>> -> memref<10240x32xf32, #tpu.memory_space<vmem_shared>>
      %dma_start3A_173 = tpu.memref_slice %arg13[%dma_start3A_162] : memref<8x!tpu.dma_semaphore, #tpu.memory_space<semaphore_mem>> -> memref<1x!tpu.dma_semaphore, #tpu.memory_space<semaphore_mem>>
      %dma_start3A_174 = tpu.memref_squeeze %dma_start3A_173 : memref<1x!tpu.dma_semaphore, #tpu.memory_space<semaphore_mem>> -> memref<!tpu.dma_semaphore, #tpu.memory_space<semaphore_mem>>
      tpu.enqueue_indirect_dma source(%dma_start3A_166 : memref<128x32xf32, #tpu.memory_space<vmem>>) target(%dma_start3A_172 : memref<10240x32xf32, #tpu.memory_space<vmem_shared>>) offsets(%dma_start3A_169 : memref<128xi32, #tpu.memory_space<vmem>>) semaphore(%dma_start3A_174 : memref<!tpu.dma_semaphore, #tpu.memory_space<semaphore_mem>>) {add = true}
      %dma_wait3A_175 = arith.constant 0 : i32
      %dma_wait3A_176 = arith.constant 0 : i32
      %dma_wait3A_177 = arith.constant 0 : i32
      %dma_wait3A_178 = arith.constant 0 : i32
      %dma_wait3A_179 = tpu.memref_slice %arg8[%dma_wait3A_175, %dma_wait3A_177, %dma_wait3A_178] : memref<8x128x32xf32, #tpu.memory_space<vmem>> -> memref<1x128x32xf32, #tpu.memory_space<vmem>>
      %dma_wait3A_180 = tpu.memref_squeeze %dma_wait3A_179 : memref<1x128x32xf32, #tpu.memory_space<vmem>> -> memref<128x32xf32, #tpu.memory_space<vmem>>
      %dma_wait3A_181 = arith.constant 0 : i32
      %dma_wait3A_182 = tpu.memref_slice %arg7[%add3A_147, %dma_wait3A_181] : memref<80x128xi32, #tpu.memory_space<vmem>> -> memref<1x128xi32, #tpu.memory_space<vmem>>
      %dma_wait3A_183 = tpu.memref_squeeze %dma_wait3A_182 : memref<1x128xi32, #tpu.memory_space<vmem>> -> memref<128xi32, #tpu.memory_space<vmem>>
      %dma_wait3A_184 = arith.constant 0 : i32
      %dma_wait3A_185 = arith.constant 0 : i32
      %dma_wait3A_186 = tpu.memref_slice %arg10[%dma_wait3A_184, %dma_wait3A_185] : memref<10240x32xf32, #tpu.memory_space<vmem_shared>> -> memref<10240x32xf32, #tpu.memory_space<vmem_shared>>
      %dma_wait3A_187 = tpu.memref_slice %arg13[%dma_wait3A_176] : memref<8x!tpu.dma_semaphore, #tpu.memory_space<semaphore_mem>> -> memref<1x!tpu.dma_semaphore, #tpu.memory_space<semaphore_mem>>
      %dma_wait3A_188 = tpu.memref_squeeze %dma_wait3A_187 : memref<1x!tpu.dma_semaphore, #tpu.memory_space<semaphore_mem>> -> memref<!tpu.dma_semaphore, #tpu.memory_space<semaphore_mem>>
      tpu.wait_indirect_dma semaphore(%dma_wait3A_188 : memref<!tpu.dma_semaphore, #tpu.memory_space<semaphore_mem>>) src(%dma_wait3A_180 : memref<128x32xf32, #tpu.memory_space<vmem>>) dst(%dma_wait3A_186 : memref<10240x32xf32, #tpu.memory_space<vmem_shared>>)
      %lt3A = arith.constant 9 : i32
      %lt3A_189 = arith.cmpi slt, %scan3A_143, %lt3A : i32
      %convert_element_type3A = arith.extui %lt3A_189 : i1 to i32
      %cond3A = arith.constant 0 : i32
      %cond3A_190 = arith.cmpi ne, %convert_element_type3A, %cond3A : i32
      scf.if %cond3A_190 {
        %add3A_548 = arith.constant 8 : i32
        %add3A_549 = arith.addi %add3A_147, %add3A_548 : i32
        %dma_start3A_550 = arith.constant 0 : i32
        %dma_start3A_551 = arith.constant 0 : i32
        %dma_start3A_552 = arith.constant 0 : i32
        %dma_start3A_553 = arith.constant 0 : i32
        %dma_start3A_554 = tpu.memref_slice %arg8[%dma_start3A_550, %dma_start3A_552, %dma_start3A_553] : memref<8x128x32xf32, #tpu.memory_space<vmem>> -> memref<1x128x32xf32, #tpu.memory_space<vmem>>
        %dma_start3A_555 = tpu.memref_squeeze %dma_start3A_554 : memref<1x128x32xf32, #tpu.memory_space<vmem>> -> memref<128x32xf32, #tpu.memory_space<vmem>>
        %dma_start3A_556 = arith.constant 0 : i32
        %dma_start3A_557 = tpu.memref_slice %arg6[%add3A_549, %dma_start3A_556] : memref<80x128xi32, #tpu.memory_space<vmem>> -> memref<1x128xi32, #tpu.memory_space<vmem>>
        %dma_start3A_558 = tpu.memref_squeeze %dma_start3A_557 : memref<1x128xi32, #tpu.memory_space<vmem>> -> memref<128xi32, #tpu.memory_space<vmem>>
        %dma_start3A_559 = arith.constant 0 : i32
        %dma_start3A_560 = arith.constant 0 : i32
        %dma_start3A_561 = tpu.memref_slice %arg11[%dma_start3A_559, %dma_start3A_560] : memref<10240x32xf32, #tpu.memory_space<vmem_shared>> -> memref<10240x32xf32, #tpu.memory_space<vmem_shared>>
        %dma_start3A_562 = tpu.memref_slice %arg12[%dma_start3A_551] : memref<8x!tpu.dma_semaphore, #tpu.memory_space<semaphore_mem>> -> memref<1x!tpu.dma_semaphore, #tpu.memory_space<semaphore_mem>>
        %dma_start3A_563 = tpu.memref_squeeze %dma_start3A_562 : memref<1x!tpu.dma_semaphore, #tpu.memory_space<semaphore_mem>> -> memref<!tpu.dma_semaphore, #tpu.memory_space<semaphore_mem>>
        tpu.enqueue_indirect_dma source(%dma_start3A_561 : memref<10240x32xf32, #tpu.memory_space<vmem_shared>>) target(%dma_start3A_555 : memref<128x32xf32, #tpu.memory_space<vmem>>) offsets(%dma_start3A_558 : memref<128xi32, #tpu.memory_space<vmem>>) semaphore(%dma_start3A_563 : memref<!tpu.dma_semaphore, #tpu.memory_space<semaphore_mem>>)
      } else {
      }
      %mul3A_191 = arith.constant 8 : i32
      %mul3A_192 = arith.muli %scan3A_143, %mul3A_191 : i32
      %add3A_193 = arith.constant 1 : i32
      %add3A_194 = arith.addi %mul3A_192, %add3A_193 : i32
      %dma_wait3A_195 = arith.constant 1 : i32
      %dma_wait3A_196 = arith.constant 1 : i32
      %dma_wait3A_197 = arith.constant 0 : i32
      %dma_wait3A_198 = arith.constant 0 : i32
      %dma_wait3A_199 = tpu.memref_slice %arg8[%dma_wait3A_195, %dma_wait3A_197, %dma_wait3A_198] : memref<8x128x32xf32, #tpu.memory_space<vmem>> -> memref<1x128x32xf32, #tpu.memory_space<vmem>>
      %dma_wait3A_200 = tpu.memref_squeeze %dma_wait3A_199 : memref<1x128x32xf32, #tpu.memory_space<vmem>> -> memref<128x32xf32, #tpu.memory_space<vmem>>
      %dma_wait3A_201 = arith.constant 0 : i32
      %dma_wait3A_202 = tpu.memref_slice %arg6[%add3A_194, %dma_wait3A_201] : memref<80x128xi32, #tpu.memory_space<vmem>> -> memref<1x128xi32, #tpu.memory_space<vmem>>
      %dma_wait3A_203 = tpu.memref_squeeze %dma_wait3A_202 : memref<1x128xi32, #tpu.memory_space<vmem>> -> memref<128xi32, #tpu.memory_space<vmem>>
      %dma_wait3A_204 = arith.constant 0 : i32
      %dma_wait3A_205 = arith.constant 0 : i32
      %dma_wait3A_206 = tpu.memref_slice %arg11[%dma_wait3A_204, %dma_wait3A_205] : memref<10240x32xf32, #tpu.memory_space<vmem_shared>> -> memref<10240x32xf32, #tpu.memory_space<vmem_shared>>
      %dma_wait3A_207 = tpu.memref_slice %arg12[%dma_wait3A_196] : memref<8x!tpu.dma_semaphore, #tpu.memory_space<semaphore_mem>> -> memref<1x!tpu.dma_semaphore, #tpu.memory_space<semaphore_mem>>
      %dma_wait3A_208 = tpu.memref_squeeze %dma_wait3A_207 : memref<1x!tpu.dma_semaphore, #tpu.memory_space<semaphore_mem>> -> memref<!tpu.dma_semaphore, #tpu.memory_space<semaphore_mem>>
      tpu.wait_indirect_dma semaphore(%dma_wait3A_208 : memref<!tpu.dma_semaphore, #tpu.memory_space<semaphore_mem>>) src(%dma_wait3A_206 : memref<10240x32xf32, #tpu.memory_space<vmem_shared>>) dst(%dma_wait3A_200 : memref<128x32xf32, #tpu.memory_space<vmem>>)
      %dma_start3A_209 = arith.constant 1 : i32
      %dma_start3A_210 = arith.constant 1 : i32
      %dma_start3A_211 = arith.constant 0 : i32
      %dma_start3A_212 = arith.constant 0 : i32
      %dma_start3A_213 = tpu.memref_slice %arg8[%dma_start3A_209, %dma_start3A_211, %dma_start3A_212] : memref<8x128x32xf32, #tpu.memory_space<vmem>> -> memref<1x128x32xf32, #tpu.memory_space<vmem>>
      %dma_start3A_214 = tpu.memref_squeeze %dma_start3A_213 : memref<1x128x32xf32, #tpu.memory_space<vmem>> -> memref<128x32xf32, #tpu.memory_space<vmem>>
      %dma_start3A_215 = arith.constant 0 : i32
      %dma_start3A_216 = tpu.memref_slice %arg7[%add3A_194, %dma_start3A_215] : memref<80x128xi32, #tpu.memory_space<vmem>> -> memref<1x128xi32, #tpu.memory_space<vmem>>
      %dma_start3A_217 = tpu.memref_squeeze %dma_start3A_216 : memref<1x128xi32, #tpu.memory_space<vmem>> -> memref<128xi32, #tpu.memory_space<vmem>>
      %dma_start3A_218 = arith.constant 0 : i32
      %dma_start3A_219 = arith.constant 0 : i32
      %dma_start3A_220 = tpu.memref_slice %arg10[%dma_start3A_218, %dma_start3A_219] : memref<10240x32xf32, #tpu.memory_space<vmem_shared>> -> memref<10240x32xf32, #tpu.memory_space<vmem_shared>>
      %dma_start3A_221 = tpu.memref_slice %arg13[%dma_start3A_210] : memref<8x!tpu.dma_semaphore, #tpu.memory_space<semaphore_mem>> -> memref<1x!tpu.dma_semaphore, #tpu.memory_space<semaphore_mem>>
      %dma_start3A_222 = tpu.memref_squeeze %dma_start3A_221 : memref<1x!tpu.dma_semaphore, #tpu.memory_space<semaphore_mem>> -> memref<!tpu.dma_semaphore, #tpu.memory_space<semaphore_mem>>
      tpu.enqueue_indirect_dma source(%dma_start3A_214 : memref<128x32xf32, #tpu.memory_space<vmem>>) target(%dma_start3A_220 : memref<10240x32xf32, #tpu.memory_space<vmem_shared>>) offsets(%dma_start3A_217 : memref<128xi32, #tpu.memory_space<vmem>>) semaphore(%dma_start3A_222 : memref<!tpu.dma_semaphore, #tpu.memory_space<semaphore_mem>>) {add = true}
      %dma_wait3A_223 = arith.constant 1 : i32
      %dma_wait3A_224 = arith.constant 1 : i32
      %dma_wait3A_225 = arith.constant 0 : i32
      %dma_wait3A_226 = arith.constant 0 : i32
      %dma_wait3A_227 = tpu.memref_slice %arg8[%dma_wait3A_223, %dma_wait3A_225, %dma_wait3A_226] : memref<8x128x32xf32, #tpu.memory_space<vmem>> -> memref<1x128x32xf32, #tpu.memory_space<vmem>>
      %dma_wait3A_228 = tpu.memref_squeeze %dma_wait3A_227 : memref<1x128x32xf32, #tpu.memory_space<vmem>> -> memref<128x32xf32, #tpu.memory_space<vmem>>
      %dma_wait3A_229 = arith.constant 0 : i32
      %dma_wait3A_230 = tpu.memref_slice %arg7[%add3A_194, %dma_wait3A_229] : memref<80x128xi32, #tpu.memory_space<vmem>> -> memref<1x128xi32, #tpu.memory_space<vmem>>
      %dma_wait3A_231 = tpu.memref_squeeze %dma_wait3A_230 : memref<1x128xi32, #tpu.memory_space<vmem>> -> memref<128xi32, #tpu.memory_space<vmem>>
      %dma_wait3A_232 = arith.constant 0 : i32
      %dma_wait3A_233 = arith.constant 0 : i32
      %dma_wait3A_234 = tpu.memref_slice %arg10[%dma_wait3A_232, %dma_wait3A_233] : memref<10240x32xf32, #tpu.memory_space<vmem_shared>> -> memref<10240x32xf32, #tpu.memory_space<vmem_shared>>
      %dma_wait3A_235 = tpu.memref_slice %arg13[%dma_wait3A_224] : memref<8x!tpu.dma_semaphore, #tpu.memory_space<semaphore_mem>> -> memref<1x!tpu.dma_semaphore, #tpu.memory_space<semaphore_mem>>
      %dma_wait3A_236 = tpu.memref_squeeze %dma_wait3A_235 : memref<1x!tpu.dma_semaphore, #tpu.memory_space<semaphore_mem>> -> memref<!tpu.dma_semaphore, #tpu.memory_space<semaphore_mem>>
      tpu.wait_indirect_dma semaphore(%dma_wait3A_236 : memref<!tpu.dma_semaphore, #tpu.memory_space<semaphore_mem>>) src(%dma_wait3A_228 : memref<128x32xf32, #tpu.memory_space<vmem>>) dst(%dma_wait3A_234 : memref<10240x32xf32, #tpu.memory_space<vmem_shared>>)
      %lt3A_237 = arith.constant 9 : i32
      %lt3A_238 = arith.cmpi slt, %scan3A_143, %lt3A_237 : i32
      %convert_element_type3A_239 = arith.extui %lt3A_238 : i1 to i32
      %cond3A_240 = arith.constant 0 : i32
      %cond3A_241 = arith.cmpi ne, %convert_element_type3A_239, %cond3A_240 : i32
      scf.if %cond3A_241 {
        %add3A_548 = arith.constant 8 : i32
        %add3A_549 = arith.addi %add3A_194, %add3A_548 : i32
        %dma_start3A_550 = arith.constant 1 : i32
        %dma_start3A_551 = arith.constant 1 : i32
        %dma_start3A_552 = arith.constant 0 : i32
        %dma_start3A_553 = arith.constant 0 : i32
        %dma_start3A_554 = tpu.memref_slice %arg8[%dma_start3A_550, %dma_start3A_552, %dma_start3A_553] : memref<8x128x32xf32, #tpu.memory_space<vmem>> -> memref<1x128x32xf32, #tpu.memory_space<vmem>>
        %dma_start3A_555 = tpu.memref_squeeze %dma_start3A_554 : memref<1x128x32xf32, #tpu.memory_space<vmem>> -> memref<128x32xf32, #tpu.memory_space<vmem>>
        %dma_start3A_556 = arith.constant 0 : i32
        %dma_start3A_557 = tpu.memref_slice %arg6[%add3A_549, %dma_start3A_556] : memref<80x128xi32, #tpu.memory_space<vmem>> -> memref<1x128xi32, #tpu.memory_space<vmem>>
        %dma_start3A_558 = tpu.memref_squeeze %dma_start3A_557 : memref<1x128xi32, #tpu.memory_space<vmem>> -> memref<128xi32, #tpu.memory_space<vmem>>
        %dma_start3A_559 = arith.constant 0 : i32
        %dma_start3A_560 = arith.constant 0 : i32
        %dma_start3A_561 = tpu.memref_slice %arg11[%dma_start3A_559, %dma_start3A_560] : memref<10240x32xf32, #tpu.memory_space<vmem_shared>> -> memref<10240x32xf32, #tpu.memory_space<vmem_shared>>
        %dma_start3A_562 = tpu.memref_slice %arg12[%dma_start3A_551] : memref<8x!tpu.dma_semaphore, #tpu.memory_space<semaphore_mem>> -> memref<1x!tpu.dma_semaphore, #tpu.memory_space<semaphore_mem>>
        %dma_start3A_563 = tpu.memref_squeeze %dma_start3A_562 : memref<1x!tpu.dma_semaphore, #tpu.memory_space<semaphore_mem>> -> memref<!tpu.dma_semaphore, #tpu.memory_space<semaphore_mem>>
        tpu.enqueue_indirect_dma source(%dma_start3A_561 : memref<10240x32xf32, #tpu.memory_space<vmem_shared>>) target(%dma_start3A_555 : memref<128x32xf32, #tpu.memory_space<vmem>>) offsets(%dma_start3A_558 : memref<128xi32, #tpu.memory_space<vmem>>) semaphore(%dma_start3A_563 : memref<!tpu.dma_semaphore, #tpu.memory_space<semaphore_mem>>)
      } else {
      }
      %mul3A_242 = arith.constant 8 : i32
      %mul3A_243 = arith.muli %scan3A_143, %mul3A_242 : i32
      %add3A_244 = arith.constant 2 : i32
      %add3A_245 = arith.addi %mul3A_243, %add3A_244 : i32
      %dma_wait3A_246 = arith.constant 2 : i32
      %dma_wait3A_247 = arith.constant 2 : i32
      %dma_wait3A_248 = arith.constant 0 : i32
      %dma_wait3A_249 = arith.constant 0 : i32
      %dma_wait3A_250 = tpu.memref_slice %arg8[%dma_wait3A_246, %dma_wait3A_248, %dma_wait3A_249] : memref<8x128x32xf32, #tpu.memory_space<vmem>> -> memref<1x128x32xf32, #tpu.memory_space<vmem>>
      %dma_wait3A_251 = tpu.memref_squeeze %dma_wait3A_250 : memref<1x128x32xf32, #tpu.memory_space<vmem>> -> memref<128x32xf32, #tpu.memory_space<vmem>>
      %dma_wait3A_252 = arith.constant 0 : i32
      %dma_wait3A_253 = tpu.memref_slice %arg6[%add3A_245, %dma_wait3A_252] : memref<80x128xi32, #tpu.memory_space<vmem>> -> memref<1x128xi32, #tpu.memory_space<vmem>>
      %dma_wait3A_254 = tpu.memref_squeeze %dma_wait3A_253 : memref<1x128xi32, #tpu.memory_space<vmem>> -> memref<128xi32, #tpu.memory_space<vmem>>
      %dma_wait3A_255 = arith.constant 0 : i32
      %dma_wait3A_256 = arith.constant 0 : i32
      %dma_wait3A_257 = tpu.memref_slice %arg11[%dma_wait3A_255, %dma_wait3A_256] : memref<10240x32xf32, #tpu.memory_space<vmem_shared>> -> memref<10240x32xf32, #tpu.memory_space<vmem_shared>>
      %dma_wait3A_258 = tpu.memref_slice %arg12[%dma_wait3A_247] : memref<8x!tpu.dma_semaphore, #tpu.memory_space<semaphore_mem>> -> memref<1x!tpu.dma_semaphore, #tpu.memory_space<semaphore_mem>>
      %dma_wait3A_259 = tpu.memref_squeeze %dma_wait3A_258 : memref<1x!tpu.dma_semaphore, #tpu.memory_space<semaphore_mem>> -> memref<!tpu.dma_semaphore, #tpu.memory_space<semaphore_mem>>
      tpu.wait_indirect_dma semaphore(%dma_wait3A_259 : memref<!tpu.dma_semaphore, #tpu.memory_space<semaphore_mem>>) src(%dma_wait3A_257 : memref<10240x32xf32, #tpu.memory_space<vmem_shared>>) dst(%dma_wait3A_251 : memref<128x32xf32, #tpu.memory_space<vmem>>)
      %dma_start3A_260 = arith.constant 2 : i32
      %dma_start3A_261 = arith.constant 2 : i32
      %dma_start3A_262 = arith.constant 0 : i32
      %dma_start3A_263 = arith.constant 0 : i32
      %dma_start3A_264 = tpu.memref_slice %arg8[%dma_start3A_260, %dma_start3A_262, %dma_start3A_263] : memref<8x128x32xf32, #tpu.memory_space<vmem>> -> memref<1x128x32xf32, #tpu.memory_space<vmem>>
      %dma_start3A_265 = tpu.memref_squeeze %dma_start3A_264 : memref<1x128x32xf32, #tpu.memory_space<vmem>> -> memref<128x32xf32, #tpu.memory_space<vmem>>
      %dma_start3A_266 = arith.constant 0 : i32
      %dma_start3A_267 = tpu.memref_slice %arg7[%add3A_245, %dma_start3A_266] : memref<80x128xi32, #tpu.memory_space<vmem>> -> memref<1x128xi32, #tpu.memory_space<vmem>>
      %dma_start3A_268 = tpu.memref_squeeze %dma_start3A_267 : memref<1x128xi32, #tpu.memory_space<vmem>> -> memref<128xi32, #tpu.memory_space<vmem>>
      %dma_start3A_269 = arith.constant 0 : i32
      %dma_start3A_270 = arith.constant 0 : i32
      %dma_start3A_271 = tpu.memref_slice %arg10[%dma_start3A_269, %dma_start3A_270] : memref<10240x32xf32, #tpu.memory_space<vmem_shared>> -> memref<10240x32xf32, #tpu.memory_space<vmem_shared>>
      %dma_start3A_272 = tpu.memref_slice %arg13[%dma_start3A_261] : memref<8x!tpu.dma_semaphore, #tpu.memory_space<semaphore_mem>> -> memref<1x!tpu.dma_semaphore, #tpu.memory_space<semaphore_mem>>
      %dma_start3A_273 = tpu.memref_squeeze %dma_start3A_272 : memref<1x!tpu.dma_semaphore, #tpu.memory_space<semaphore_mem>> -> memref<!tpu.dma_semaphore, #tpu.memory_space<semaphore_mem>>
      tpu.enqueue_indirect_dma source(%dma_start3A_265 : memref<128x32xf32, #tpu.memory_space<vmem>>) target(%dma_start3A_271 : memref<10240x32xf32, #tpu.memory_space<vmem_shared>>) offsets(%dma_start3A_268 : memref<128xi32, #tpu.memory_space<vmem>>) semaphore(%dma_start3A_273 : memref<!tpu.dma_semaphore, #tpu.memory_space<semaphore_mem>>) {add = true}
      %dma_wait3A_274 = arith.constant 2 : i32
      %dma_wait3A_275 = arith.constant 2 : i32
      %dma_wait3A_276 = arith.constant 0 : i32
      %dma_wait3A_277 = arith.constant 0 : i32
      %dma_wait3A_278 = tpu.memref_slice %arg8[%dma_wait3A_274, %dma_wait3A_276, %dma_wait3A_277] : memref<8x128x32xf32, #tpu.memory_space<vmem>> -> memref<1x128x32xf32, #tpu.memory_space<vmem>>
      %dma_wait3A_279 = tpu.memref_squeeze %dma_wait3A_278 : memref<1x128x32xf32, #tpu.memory_space<vmem>> -> memref<128x32xf32, #tpu.memory_space<vmem>>
      %dma_wait3A_280 = arith.constant 0 : i32
      %dma_wait3A_281 = tpu.memref_slice %arg7[%add3A_245, %dma_wait3A_280] : memref<80x128xi32, #tpu.memory_space<vmem>> -> memref<1x128xi32, #tpu.memory_space<vmem>>
      %dma_wait3A_282 = tpu.memref_squeeze %dma_wait3A_281 : memref<1x128xi32, #tpu.memory_space<vmem>> -> memref<128xi32, #tpu.memory_space<vmem>>
      %dma_wait3A_283 = arith.constant 0 : i32
      %dma_wait3A_284 = arith.constant 0 : i32
      %dma_wait3A_285 = tpu.memref_slice %arg10[%dma_wait3A_283, %dma_wait3A_284] : memref<10240x32xf32, #tpu.memory_space<vmem_shared>> -> memref<10240x32xf32, #tpu.memory_space<vmem_shared>>
      %dma_wait3A_286 = tpu.memref_slice %arg13[%dma_wait3A_275] : memref<8x!tpu.dma_semaphore, #tpu.memory_space<semaphore_mem>> -> memref<1x!tpu.dma_semaphore, #tpu.memory_space<semaphore_mem>>
      %dma_wait3A_287 = tpu.memref_squeeze %dma_wait3A_286 : memref<1x!tpu.dma_semaphore, #tpu.memory_space<semaphore_mem>> -> memref<!tpu.dma_semaphore, #tpu.memory_space<semaphore_mem>>
      tpu.wait_indirect_dma semaphore(%dma_wait3A_287 : memref<!tpu.dma_semaphore, #tpu.memory_space<semaphore_mem>>) src(%dma_wait3A_279 : memref<128x32xf32, #tpu.memory_space<vmem>>) dst(%dma_wait3A_285 : memref<10240x32xf32, #tpu.memory_space<vmem_shared>>)
      %lt3A_288 = arith.constant 9 : i32
      %lt3A_289 = arith.cmpi slt, %scan3A_143, %lt3A_288 : i32
      %convert_element_type3A_290 = arith.extui %lt3A_289 : i1 to i32
      %cond3A_291 = arith.constant 0 : i32
      %cond3A_292 = arith.cmpi ne, %convert_element_type3A_290, %cond3A_291 : i32
      scf.if %cond3A_292 {
        %add3A_548 = arith.constant 8 : i32
        %add3A_549 = arith.addi %add3A_245, %add3A_548 : i32
        %dma_start3A_550 = arith.constant 2 : i32
        %dma_start3A_551 = arith.constant 2 : i32
        %dma_start3A_552 = arith.constant 0 : i32
        %dma_start3A_553 = arith.constant 0 : i32
        %dma_start3A_554 = tpu.memref_slice %arg8[%dma_start3A_550, %dma_start3A_552, %dma_start3A_553] : memref<8x128x32xf32, #tpu.memory_space<vmem>> -> memref<1x128x32xf32, #tpu.memory_space<vmem>>
        %dma_start3A_555 = tpu.memref_squeeze %dma_start3A_554 : memref<1x128x32xf32, #tpu.memory_space<vmem>> -> memref<128x32xf32, #tpu.memory_space<vmem>>
        %dma_start3A_556 = arith.constant 0 : i32
        %dma_start3A_557 = tpu.memref_slice %arg6[%add3A_549, %dma_start3A_556] : memref<80x128xi32, #tpu.memory_space<vmem>> -> memref<1x128xi32, #tpu.memory_space<vmem>>
        %dma_start3A_558 = tpu.memref_squeeze %dma_start3A_557 : memref<1x128xi32, #tpu.memory_space<vmem>> -> memref<128xi32, #tpu.memory_space<vmem>>
        %dma_start3A_559 = arith.constant 0 : i32
        %dma_start3A_560 = arith.constant 0 : i32
        %dma_start3A_561 = tpu.memref_slice %arg11[%dma_start3A_559, %dma_start3A_560] : memref<10240x32xf32, #tpu.memory_space<vmem_shared>> -> memref<10240x32xf32, #tpu.memory_space<vmem_shared>>
        %dma_start3A_562 = tpu.memref_slice %arg12[%dma_start3A_551] : memref<8x!tpu.dma_semaphore, #tpu.memory_space<semaphore_mem>> -> memref<1x!tpu.dma_semaphore, #tpu.memory_space<semaphore_mem>>
        %dma_start3A_563 = tpu.memref_squeeze %dma_start3A_562 : memref<1x!tpu.dma_semaphore, #tpu.memory_space<semaphore_mem>> -> memref<!tpu.dma_semaphore, #tpu.memory_space<semaphore_mem>>
        tpu.enqueue_indirect_dma source(%dma_start3A_561 : memref<10240x32xf32, #tpu.memory_space<vmem_shared>>) target(%dma_start3A_555 : memref<128x32xf32, #tpu.memory_space<vmem>>) offsets(%dma_start3A_558 : memref<128xi32, #tpu.memory_space<vmem>>) semaphore(%dma_start3A_563 : memref<!tpu.dma_semaphore, #tpu.memory_space<semaphore_mem>>)
      } else {
      }
      %mul3A_293 = arith.constant 8 : i32
      %mul3A_294 = arith.muli %scan3A_143, %mul3A_293 : i32
      %add3A_295 = arith.constant 3 : i32
      %add3A_296 = arith.addi %mul3A_294, %add3A_295 : i32
      %dma_wait3A_297 = arith.constant 3 : i32
      %dma_wait3A_298 = arith.constant 3 : i32
      %dma_wait3A_299 = arith.constant 0 : i32
      %dma_wait3A_300 = arith.constant 0 : i32
      %dma_wait3A_301 = tpu.memref_slice %arg8[%dma_wait3A_297, %dma_wait3A_299, %dma_wait3A_300] : memref<8x128x32xf32, #tpu.memory_space<vmem>> -> memref<1x128x32xf32, #tpu.memory_space<vmem>>
      %dma_wait3A_302 = tpu.memref_squeeze %dma_wait3A_301 : memref<1x128x32xf32, #tpu.memory_space<vmem>> -> memref<128x32xf32, #tpu.memory_space<vmem>>
      %dma_wait3A_303 = arith.constant 0 : i32
      %dma_wait3A_304 = tpu.memref_slice %arg6[%add3A_296, %dma_wait3A_303] : memref<80x128xi32, #tpu.memory_space<vmem>> -> memref<1x128xi32, #tpu.memory_space<vmem>>
      %dma_wait3A_305 = tpu.memref_squeeze %dma_wait3A_304 : memref<1x128xi32, #tpu.memory_space<vmem>> -> memref<128xi32, #tpu.memory_space<vmem>>
      %dma_wait3A_306 = arith.constant 0 : i32
      %dma_wait3A_307 = arith.constant 0 : i32
      %dma_wait3A_308 = tpu.memref_slice %arg11[%dma_wait3A_306, %dma_wait3A_307] : memref<10240x32xf32, #tpu.memory_space<vmem_shared>> -> memref<10240x32xf32, #tpu.memory_space<vmem_shared>>
      %dma_wait3A_309 = tpu.memref_slice %arg12[%dma_wait3A_298] : memref<8x!tpu.dma_semaphore, #tpu.memory_space<semaphore_mem>> -> memref<1x!tpu.dma_semaphore, #tpu.memory_space<semaphore_mem>>
      %dma_wait3A_310 = tpu.memref_squeeze %dma_wait3A_309 : memref<1x!tpu.dma_semaphore, #tpu.memory_space<semaphore_mem>> -> memref<!tpu.dma_semaphore, #tpu.memory_space<semaphore_mem>>
      tpu.wait_indirect_dma semaphore(%dma_wait3A_310 : memref<!tpu.dma_semaphore, #tpu.memory_space<semaphore_mem>>) src(%dma_wait3A_308 : memref<10240x32xf32, #tpu.memory_space<vmem_shared>>) dst(%dma_wait3A_302 : memref<128x32xf32, #tpu.memory_space<vmem>>)
      %dma_start3A_311 = arith.constant 3 : i32
      %dma_start3A_312 = arith.constant 3 : i32
      %dma_start3A_313 = arith.constant 0 : i32
      %dma_start3A_314 = arith.constant 0 : i32
      %dma_start3A_315 = tpu.memref_slice %arg8[%dma_start3A_311, %dma_start3A_313, %dma_start3A_314] : memref<8x128x32xf32, #tpu.memory_space<vmem>> -> memref<1x128x32xf32, #tpu.memory_space<vmem>>
      %dma_start3A_316 = tpu.memref_squeeze %dma_start3A_315 : memref<1x128x32xf32, #tpu.memory_space<vmem>> -> memref<128x32xf32, #tpu.memory_space<vmem>>
      %dma_start3A_317 = arith.constant 0 : i32
      %dma_start3A_318 = tpu.memref_slice %arg7[%add3A_296, %dma_start3A_317] : memref<80x128xi32, #tpu.memory_space<vmem>> -> memref<1x128xi32, #tpu.memory_space<vmem>>
      %dma_start3A_319 = tpu.memref_squeeze %dma_start3A_318 : memref<1x128xi32, #tpu.memory_space<vmem>> -> memref<128xi32, #tpu.memory_space<vmem>>
      %dma_start3A_320 = arith.constant 0 : i32
      %dma_start3A_321 = arith.constant 0 : i32
      %dma_start3A_322 = tpu.memref_slice %arg10[%dma_start3A_320, %dma_start3A_321] : memref<10240x32xf32, #tpu.memory_space<vmem_shared>> -> memref<10240x32xf32, #tpu.memory_space<vmem_shared>>
      %dma_start3A_323 = tpu.memref_slice %arg13[%dma_start3A_312] : memref<8x!tpu.dma_semaphore, #tpu.memory_space<semaphore_mem>> -> memref<1x!tpu.dma_semaphore, #tpu.memory_space<semaphore_mem>>
      %dma_start3A_324 = tpu.memref_squeeze %dma_start3A_323 : memref<1x!tpu.dma_semaphore, #tpu.memory_space<semaphore_mem>> -> memref<!tpu.dma_semaphore, #tpu.memory_space<semaphore_mem>>
      tpu.enqueue_indirect_dma source(%dma_start3A_316 : memref<128x32xf32, #tpu.memory_space<vmem>>) target(%dma_start3A_322 : memref<10240x32xf32, #tpu.memory_space<vmem_shared>>) offsets(%dma_start3A_319 : memref<128xi32, #tpu.memory_space<vmem>>) semaphore(%dma_start3A_324 : memref<!tpu.dma_semaphore, #tpu.memory_space<semaphore_mem>>) {add = true}
      %dma_wait3A_325 = arith.constant 3 : i32
      %dma_wait3A_326 = arith.constant 3 : i32
      %dma_wait3A_327 = arith.constant 0 : i32
      %dma_wait3A_328 = arith.constant 0 : i32
      %dma_wait3A_329 = tpu.memref_slice %arg8[%dma_wait3A_325, %dma_wait3A_327, %dma_wait3A_328] : memref<8x128x32xf32, #tpu.memory_space<vmem>> -> memref<1x128x32xf32, #tpu.memory_space<vmem>>
      %dma_wait3A_330 = tpu.memref_squeeze %dma_wait3A_329 : memref<1x128x32xf32, #tpu.memory_space<vmem>> -> memref<128x32xf32, #tpu.memory_space<vmem>>
      %dma_wait3A_331 = arith.constant 0 : i32
      %dma_wait3A_332 = tpu.memref_slice %arg7[%add3A_296, %dma_wait3A_331] : memref<80x128xi32, #tpu.memory_space<vmem>> -> memref<1x128xi32, #tpu.memory_space<vmem>>
      %dma_wait3A_333 = tpu.memref_squeeze %dma_wait3A_332 : memref<1x128xi32, #tpu.memory_space<vmem>> -> memref<128xi32, #tpu.memory_space<vmem>>
      %dma_wait3A_334 = arith.constant 0 : i32
      %dma_wait3A_335 = arith.constant 0 : i32
      %dma_wait3A_336 = tpu.memref_slice %arg10[%dma_wait3A_334, %dma_wait3A_335] : memref<10240x32xf32, #tpu.memory_space<vmem_shared>> -> memref<10240x32xf32, #tpu.memory_space<vmem_shared>>
      %dma_wait3A_337 = tpu.memref_slice %arg13[%dma_wait3A_326] : memref<8x!tpu.dma_semaphore, #tpu.memory_space<semaphore_mem>> -> memref<1x!tpu.dma_semaphore, #tpu.memory_space<semaphore_mem>>
      %dma_wait3A_338 = tpu.memref_squeeze %dma_wait3A_337 : memref<1x!tpu.dma_semaphore, #tpu.memory_space<semaphore_mem>> -> memref<!tpu.dma_semaphore, #tpu.memory_space<semaphore_mem>>
      tpu.wait_indirect_dma semaphore(%dma_wait3A_338 : memref<!tpu.dma_semaphore, #tpu.memory_space<semaphore_mem>>) src(%dma_wait3A_330 : memref<128x32xf32, #tpu.memory_space<vmem>>) dst(%dma_wait3A_336 : memref<10240x32xf32, #tpu.memory_space<vmem_shared>>)
      %lt3A_339 = arith.constant 9 : i32
      %lt3A_340 = arith.cmpi slt, %scan3A_143, %lt3A_339 : i32
      %convert_element_type3A_341 = arith.extui %lt3A_340 : i1 to i32
      %cond3A_342 = arith.constant 0 : i32
      %cond3A_343 = arith.cmpi ne, %convert_element_type3A_341, %cond3A_342 : i32
      scf.if %cond3A_343 {
        %add3A_548 = arith.constant 8 : i32
        %add3A_549 = arith.addi %add3A_296, %add3A_548 : i32
        %dma_start3A_550 = arith.constant 3 : i32
        %dma_start3A_551 = arith.constant 3 : i32
        %dma_start3A_552 = arith.constant 0 : i32
        %dma_start3A_553 = arith.constant 0 : i32
        %dma_start3A_554 = tpu.memref_slice %arg8[%dma_start3A_550, %dma_start3A_552, %dma_start3A_553] : memref<8x128x32xf32, #tpu.memory_space<vmem>> -> memref<1x128x32xf32, #tpu.memory_space<vmem>>
        %dma_start3A_555 = tpu.memref_squeeze %dma_start3A_554 : memref<1x128x32xf32, #tpu.memory_space<vmem>> -> memref<128x32xf32, #tpu.memory_space<vmem>>
        %dma_start3A_556 = arith.constant 0 : i32
        %dma_start3A_557 = tpu.memref_slice %arg6[%add3A_549, %dma_start3A_556] : memref<80x128xi32, #tpu.memory_space<vmem>> -> memref<1x128xi32, #tpu.memory_space<vmem>>
        %dma_start3A_558 = tpu.memref_squeeze %dma_start3A_557 : memref<1x128xi32, #tpu.memory_space<vmem>> -> memref<128xi32, #tpu.memory_space<vmem>>
        %dma_start3A_559 = arith.constant 0 : i32
        %dma_start3A_560 = arith.constant 0 : i32
        %dma_start3A_561 = tpu.memref_slice %arg11[%dma_start3A_559, %dma_start3A_560] : memref<10240x32xf32, #tpu.memory_space<vmem_shared>> -> memref<10240x32xf32, #tpu.memory_space<vmem_shared>>
        %dma_start3A_562 = tpu.memref_slice %arg12[%dma_start3A_551] : memref<8x!tpu.dma_semaphore, #tpu.memory_space<semaphore_mem>> -> memref<1x!tpu.dma_semaphore, #tpu.memory_space<semaphore_mem>>
        %dma_start3A_563 = tpu.memref_squeeze %dma_start3A_562 : memref<1x!tpu.dma_semaphore, #tpu.memory_space<semaphore_mem>> -> memref<!tpu.dma_semaphore, #tpu.memory_space<semaphore_mem>>
        tpu.enqueue_indirect_dma source(%dma_start3A_561 : memref<10240x32xf32, #tpu.memory_space<vmem_shared>>) target(%dma_start3A_555 : memref<128x32xf32, #tpu.memory_space<vmem>>) offsets(%dma_start3A_558 : memref<128xi32, #tpu.memory_space<vmem>>) semaphore(%dma_start3A_563 : memref<!tpu.dma_semaphore, #tpu.memory_space<semaphore_mem>>)
      } else {
      }
      %mul3A_344 = arith.constant 8 : i32
      %mul3A_345 = arith.muli %scan3A_143, %mul3A_344 : i32
      %add3A_346 = arith.constant 4 : i32
      %add3A_347 = arith.addi %mul3A_345, %add3A_346 : i32
      %dma_wait3A_348 = arith.constant 4 : i32
      %dma_wait3A_349 = arith.constant 4 : i32
      %dma_wait3A_350 = arith.constant 0 : i32
      %dma_wait3A_351 = arith.constant 0 : i32
      %dma_wait3A_352 = tpu.memref_slice %arg8[%dma_wait3A_348, %dma_wait3A_350, %dma_wait3A_351] : memref<8x128x32xf32, #tpu.memory_space<vmem>> -> memref<1x128x32xf32, #tpu.memory_space<vmem>>
      %dma_wait3A_353 = tpu.memref_squeeze %dma_wait3A_352 : memref<1x128x32xf32, #tpu.memory_space<vmem>> -> memref<128x32xf32, #tpu.memory_space<vmem>>
      %dma_wait3A_354 = arith.constant 0 : i32
      %dma_wait3A_355 = tpu.memref_slice %arg6[%add3A_347, %dma_wait3A_354] : memref<80x128xi32, #tpu.memory_space<vmem>> -> memref<1x128xi32, #tpu.memory_space<vmem>>
      %dma_wait3A_356 = tpu.memref_squeeze %dma_wait3A_355 : memref<1x128xi32, #tpu.memory_space<vmem>> -> memref<128xi32, #tpu.memory_space<vmem>>
      %dma_wait3A_357 = arith.constant 0 : i32
      %dma_wait3A_358 = arith.constant 0 : i32
      %dma_wait3A_359 = tpu.memref_slice %arg11[%dma_wait3A_357, %dma_wait3A_358] : memref<10240x32xf32, #tpu.memory_space<vmem_shared>> -> memref<10240x32xf32, #tpu.memory_space<vmem_shared>>
      %dma_wait3A_360 = tpu.memref_slice %arg12[%dma_wait3A_349] : memref<8x!tpu.dma_semaphore, #tpu.memory_space<semaphore_mem>> -> memref<1x!tpu.dma_semaphore, #tpu.memory_space<semaphore_mem>>
      %dma_wait3A_361 = tpu.memref_squeeze %dma_wait3A_360 : memref<1x!tpu.dma_semaphore, #tpu.memory_space<semaphore_mem>> -> memref<!tpu.dma_semaphore, #tpu.memory_space<semaphore_mem>>
      tpu.wait_indirect_dma semaphore(%dma_wait3A_361 : memref<!tpu.dma_semaphore, #tpu.memory_space<semaphore_mem>>) src(%dma_wait3A_359 : memref<10240x32xf32, #tpu.memory_space<vmem_shared>>) dst(%dma_wait3A_353 : memref<128x32xf32, #tpu.memory_space<vmem>>)
      %dma_start3A_362 = arith.constant 4 : i32
      %dma_start3A_363 = arith.constant 4 : i32
      %dma_start3A_364 = arith.constant 0 : i32
      %dma_start3A_365 = arith.constant 0 : i32
      %dma_start3A_366 = tpu.memref_slice %arg8[%dma_start3A_362, %dma_start3A_364, %dma_start3A_365] : memref<8x128x32xf32, #tpu.memory_space<vmem>> -> memref<1x128x32xf32, #tpu.memory_space<vmem>>
      %dma_start3A_367 = tpu.memref_squeeze %dma_start3A_366 : memref<1x128x32xf32, #tpu.memory_space<vmem>> -> memref<128x32xf32, #tpu.memory_space<vmem>>
      %dma_start3A_368 = arith.constant 0 : i32
      %dma_start3A_369 = tpu.memref_slice %arg7[%add3A_347, %dma_start3A_368] : memref<80x128xi32, #tpu.memory_space<vmem>> -> memref<1x128xi32, #tpu.memory_space<vmem>>
      %dma_start3A_370 = tpu.memref_squeeze %dma_start3A_369 : memref<1x128xi32, #tpu.memory_space<vmem>> -> memref<128xi32, #tpu.memory_space<vmem>>
      %dma_start3A_371 = arith.constant 0 : i32
      %dma_start3A_372 = arith.constant 0 : i32
      %dma_start3A_373 = tpu.memref_slice %arg10[%dma_start3A_371, %dma_start3A_372] : memref<10240x32xf32, #tpu.memory_space<vmem_shared>> -> memref<10240x32xf32, #tpu.memory_space<vmem_shared>>
      %dma_start3A_374 = tpu.memref_slice %arg13[%dma_start3A_363] : memref<8x!tpu.dma_semaphore, #tpu.memory_space<semaphore_mem>> -> memref<1x!tpu.dma_semaphore, #tpu.memory_space<semaphore_mem>>
      %dma_start3A_375 = tpu.memref_squeeze %dma_start3A_374 : memref<1x!tpu.dma_semaphore, #tpu.memory_space<semaphore_mem>> -> memref<!tpu.dma_semaphore, #tpu.memory_space<semaphore_mem>>
      tpu.enqueue_indirect_dma source(%dma_start3A_367 : memref<128x32xf32, #tpu.memory_space<vmem>>) target(%dma_start3A_373 : memref<10240x32xf32, #tpu.memory_space<vmem_shared>>) offsets(%dma_start3A_370 : memref<128xi32, #tpu.memory_space<vmem>>) semaphore(%dma_start3A_375 : memref<!tpu.dma_semaphore, #tpu.memory_space<semaphore_mem>>) {add = true}
      %dma_wait3A_376 = arith.constant 4 : i32
      %dma_wait3A_377 = arith.constant 4 : i32
      %dma_wait3A_378 = arith.constant 0 : i32
      %dma_wait3A_379 = arith.constant 0 : i32
      %dma_wait3A_380 = tpu.memref_slice %arg8[%dma_wait3A_376, %dma_wait3A_378, %dma_wait3A_379] : memref<8x128x32xf32, #tpu.memory_space<vmem>> -> memref<1x128x32xf32, #tpu.memory_space<vmem>>
      %dma_wait3A_381 = tpu.memref_squeeze %dma_wait3A_380 : memref<1x128x32xf32, #tpu.memory_space<vmem>> -> memref<128x32xf32, #tpu.memory_space<vmem>>
      %dma_wait3A_382 = arith.constant 0 : i32
      %dma_wait3A_383 = tpu.memref_slice %arg7[%add3A_347, %dma_wait3A_382] : memref<80x128xi32, #tpu.memory_space<vmem>> -> memref<1x128xi32, #tpu.memory_space<vmem>>
      %dma_wait3A_384 = tpu.memref_squeeze %dma_wait3A_383 : memref<1x128xi32, #tpu.memory_space<vmem>> -> memref<128xi32, #tpu.memory_space<vmem>>
      %dma_wait3A_385 = arith.constant 0 : i32
      %dma_wait3A_386 = arith.constant 0 : i32
      %dma_wait3A_387 = tpu.memref_slice %arg10[%dma_wait3A_385, %dma_wait3A_386] : memref<10240x32xf32, #tpu.memory_space<vmem_shared>> -> memref<10240x32xf32, #tpu.memory_space<vmem_shared>>
      %dma_wait3A_388 = tpu.memref_slice %arg13[%dma_wait3A_377] : memref<8x!tpu.dma_semaphore, #tpu.memory_space<semaphore_mem>> -> memref<1x!tpu.dma_semaphore, #tpu.memory_space<semaphore_mem>>
      %dma_wait3A_389 = tpu.memref_squeeze %dma_wait3A_388 : memref<1x!tpu.dma_semaphore, #tpu.memory_space<semaphore_mem>> -> memref<!tpu.dma_semaphore, #tpu.memory_space<semaphore_mem>>
      tpu.wait_indirect_dma semaphore(%dma_wait3A_389 : memref<!tpu.dma_semaphore, #tpu.memory_space<semaphore_mem>>) src(%dma_wait3A_381 : memref<128x32xf32, #tpu.memory_space<vmem>>) dst(%dma_wait3A_387 : memref<10240x32xf32, #tpu.memory_space<vmem_shared>>)
      %lt3A_390 = arith.constant 9 : i32
      %lt3A_391 = arith.cmpi slt, %scan3A_143, %lt3A_390 : i32
      %convert_element_type3A_392 = arith.extui %lt3A_391 : i1 to i32
      %cond3A_393 = arith.constant 0 : i32
      %cond3A_394 = arith.cmpi ne, %convert_element_type3A_392, %cond3A_393 : i32
      scf.if %cond3A_394 {
        %add3A_548 = arith.constant 8 : i32
        %add3A_549 = arith.addi %add3A_347, %add3A_548 : i32
        %dma_start3A_550 = arith.constant 4 : i32
        %dma_start3A_551 = arith.constant 4 : i32
        %dma_start3A_552 = arith.constant 0 : i32
        %dma_start3A_553 = arith.constant 0 : i32
        %dma_start3A_554 = tpu.memref_slice %arg8[%dma_start3A_550, %dma_start3A_552, %dma_start3A_553] : memref<8x128x32xf32, #tpu.memory_space<vmem>> -> memref<1x128x32xf32, #tpu.memory_space<vmem>>
        %dma_start3A_555 = tpu.memref_squeeze %dma_start3A_554 : memref<1x128x32xf32, #tpu.memory_space<vmem>> -> memref<128x32xf32, #tpu.memory_space<vmem>>
        %dma_start3A_556 = arith.constant 0 : i32
        %dma_start3A_557 = tpu.memref_slice %arg6[%add3A_549, %dma_start3A_556] : memref<80x128xi32, #tpu.memory_space<vmem>> -> memref<1x128xi32, #tpu.memory_space<vmem>>
        %dma_start3A_558 = tpu.memref_squeeze %dma_start3A_557 : memref<1x128xi32, #tpu.memory_space<vmem>> -> memref<128xi32, #tpu.memory_space<vmem>>
        %dma_start3A_559 = arith.constant 0 : i32
        %dma_start3A_560 = arith.constant 0 : i32
        %dma_start3A_561 = tpu.memref_slice %arg11[%dma_start3A_559, %dma_start3A_560] : memref<10240x32xf32, #tpu.memory_space<vmem_shared>> -> memref<10240x32xf32, #tpu.memory_space<vmem_shared>>
        %dma_start3A_562 = tpu.memref_slice %arg12[%dma_start3A_551] : memref<8x!tpu.dma_semaphore, #tpu.memory_space<semaphore_mem>> -> memref<1x!tpu.dma_semaphore, #tpu.memory_space<semaphore_mem>>
        %dma_start3A_563 = tpu.memref_squeeze %dma_start3A_562 : memref<1x!tpu.dma_semaphore, #tpu.memory_space<semaphore_mem>> -> memref<!tpu.dma_semaphore, #tpu.memory_space<semaphore_mem>>
        tpu.enqueue_indirect_dma source(%dma_start3A_561 : memref<10240x32xf32, #tpu.memory_space<vmem_shared>>) target(%dma_start3A_555 : memref<128x32xf32, #tpu.memory_space<vmem>>) offsets(%dma_start3A_558 : memref<128xi32, #tpu.memory_space<vmem>>) semaphore(%dma_start3A_563 : memref<!tpu.dma_semaphore, #tpu.memory_space<semaphore_mem>>)
      } else {
      }
      %mul3A_395 = arith.constant 8 : i32
      %mul3A_396 = arith.muli %scan3A_143, %mul3A_395 : i32
      %add3A_397 = arith.constant 5 : i32
      %add3A_398 = arith.addi %mul3A_396, %add3A_397 : i32
      %dma_wait3A_399 = arith.constant 5 : i32
      %dma_wait3A_400 = arith.constant 5 : i32
      %dma_wait3A_401 = arith.constant 0 : i32
      %dma_wait3A_402 = arith.constant 0 : i32
      %dma_wait3A_403 = tpu.memref_slice %arg8[%dma_wait3A_399, %dma_wait3A_401, %dma_wait3A_402] : memref<8x128x32xf32, #tpu.memory_space<vmem>> -> memref<1x128x32xf32, #tpu.memory_space<vmem>>
      %dma_wait3A_404 = tpu.memref_squeeze %dma_wait3A_403 : memref<1x128x32xf32, #tpu.memory_space<vmem>> -> memref<128x32xf32, #tpu.memory_space<vmem>>
      %dma_wait3A_405 = arith.constant 0 : i32
      %dma_wait3A_406 = tpu.memref_slice %arg6[%add3A_398, %dma_wait3A_405] : memref<80x128xi32, #tpu.memory_space<vmem>> -> memref<1x128xi32, #tpu.memory_space<vmem>>
      %dma_wait3A_407 = tpu.memref_squeeze %dma_wait3A_406 : memref<1x128xi32, #tpu.memory_space<vmem>> -> memref<128xi32, #tpu.memory_space<vmem>>
      %dma_wait3A_408 = arith.constant 0 : i32
      %dma_wait3A_409 = arith.constant 0 : i32
      %dma_wait3A_410 = tpu.memref_slice %arg11[%dma_wait3A_408, %dma_wait3A_409] : memref<10240x32xf32, #tpu.memory_space<vmem_shared>> -> memref<10240x32xf32, #tpu.memory_space<vmem_shared>>
      %dma_wait3A_411 = tpu.memref_slice %arg12[%dma_wait3A_400] : memref<8x!tpu.dma_semaphore, #tpu.memory_space<semaphore_mem>> -> memref<1x!tpu.dma_semaphore, #tpu.memory_space<semaphore_mem>>
      %dma_wait3A_412 = tpu.memref_squeeze %dma_wait3A_411 : memref<1x!tpu.dma_semaphore, #tpu.memory_space<semaphore_mem>> -> memref<!tpu.dma_semaphore, #tpu.memory_space<semaphore_mem>>
      tpu.wait_indirect_dma semaphore(%dma_wait3A_412 : memref<!tpu.dma_semaphore, #tpu.memory_space<semaphore_mem>>) src(%dma_wait3A_410 : memref<10240x32xf32, #tpu.memory_space<vmem_shared>>) dst(%dma_wait3A_404 : memref<128x32xf32, #tpu.memory_space<vmem>>)
      %dma_start3A_413 = arith.constant 5 : i32
      %dma_start3A_414 = arith.constant 5 : i32
      %dma_start3A_415 = arith.constant 0 : i32
      %dma_start3A_416 = arith.constant 0 : i32
      %dma_start3A_417 = tpu.memref_slice %arg8[%dma_start3A_413, %dma_start3A_415, %dma_start3A_416] : memref<8x128x32xf32, #tpu.memory_space<vmem>> -> memref<1x128x32xf32, #tpu.memory_space<vmem>>
      %dma_start3A_418 = tpu.memref_squeeze %dma_start3A_417 : memref<1x128x32xf32, #tpu.memory_space<vmem>> -> memref<128x32xf32, #tpu.memory_space<vmem>>
      %dma_start3A_419 = arith.constant 0 : i32
      %dma_start3A_420 = tpu.memref_slice %arg7[%add3A_398, %dma_start3A_419] : memref<80x128xi32, #tpu.memory_space<vmem>> -> memref<1x128xi32, #tpu.memory_space<vmem>>
      %dma_start3A_421 = tpu.memref_squeeze %dma_start3A_420 : memref<1x128xi32, #tpu.memory_space<vmem>> -> memref<128xi32, #tpu.memory_space<vmem>>
      %dma_start3A_422 = arith.constant 0 : i32
      %dma_start3A_423 = arith.constant 0 : i32
      %dma_start3A_424 = tpu.memref_slice %arg10[%dma_start3A_422, %dma_start3A_423] : memref<10240x32xf32, #tpu.memory_space<vmem_shared>> -> memref<10240x32xf32, #tpu.memory_space<vmem_shared>>
      %dma_start3A_425 = tpu.memref_slice %arg13[%dma_start3A_414] : memref<8x!tpu.dma_semaphore, #tpu.memory_space<semaphore_mem>> -> memref<1x!tpu.dma_semaphore, #tpu.memory_space<semaphore_mem>>
      %dma_start3A_426 = tpu.memref_squeeze %dma_start3A_425 : memref<1x!tpu.dma_semaphore, #tpu.memory_space<semaphore_mem>> -> memref<!tpu.dma_semaphore, #tpu.memory_space<semaphore_mem>>
      tpu.enqueue_indirect_dma source(%dma_start3A_418 : memref<128x32xf32, #tpu.memory_space<vmem>>) target(%dma_start3A_424 : memref<10240x32xf32, #tpu.memory_space<vmem_shared>>) offsets(%dma_start3A_421 : memref<128xi32, #tpu.memory_space<vmem>>) semaphore(%dma_start3A_426 : memref<!tpu.dma_semaphore, #tpu.memory_space<semaphore_mem>>) {add = true}
      %dma_wait3A_427 = arith.constant 5 : i32
      %dma_wait3A_428 = arith.constant 5 : i32
      %dma_wait3A_429 = arith.constant 0 : i32
      %dma_wait3A_430 = arith.constant 0 : i32
      %dma_wait3A_431 = tpu.memref_slice %arg8[%dma_wait3A_427, %dma_wait3A_429, %dma_wait3A_430] : memref<8x128x32xf32, #tpu.memory_space<vmem>> -> memref<1x128x32xf32, #tpu.memory_space<vmem>>
      %dma_wait3A_432 = tpu.memref_squeeze %dma_wait3A_431 : memref<1x128x32xf32, #tpu.memory_space<vmem>> -> memref<128x32xf32, #tpu.memory_space<vmem>>
      %dma_wait3A_433 = arith.constant 0 : i32
      %dma_wait3A_434 = tpu.memref_slice %arg7[%add3A_398, %dma_wait3A_433] : memref<80x128xi32, #tpu.memory_space<vmem>> -> memref<1x128xi32, #tpu.memory_space<vmem>>
      %dma_wait3A_435 = tpu.memref_squeeze %dma_wait3A_434 : memref<1x128xi32, #tpu.memory_space<vmem>> -> memref<128xi32, #tpu.memory_space<vmem>>
      %dma_wait3A_436 = arith.constant 0 : i32
      %dma_wait3A_437 = arith.constant 0 : i32
      %dma_wait3A_438 = tpu.memref_slice %arg10[%dma_wait3A_436, %dma_wait3A_437] : memref<10240x32xf32, #tpu.memory_space<vmem_shared>> -> memref<10240x32xf32, #tpu.memory_space<vmem_shared>>
      %dma_wait3A_439 = tpu.memref_slice %arg13[%dma_wait3A_428] : memref<8x!tpu.dma_semaphore, #tpu.memory_space<semaphore_mem>> -> memref<1x!tpu.dma_semaphore, #tpu.memory_space<semaphore_mem>>
      %dma_wait3A_440 = tpu.memref_squeeze %dma_wait3A_439 : memref<1x!tpu.dma_semaphore, #tpu.memory_space<semaphore_mem>> -> memref<!tpu.dma_semaphore, #tpu.memory_space<semaphore_mem>>
      tpu.wait_indirect_dma semaphore(%dma_wait3A_440 : memref<!tpu.dma_semaphore, #tpu.memory_space<semaphore_mem>>) src(%dma_wait3A_432 : memref<128x32xf32, #tpu.memory_space<vmem>>) dst(%dma_wait3A_438 : memref<10240x32xf32, #tpu.memory_space<vmem_shared>>)
      %lt3A_441 = arith.constant 9 : i32
      %lt3A_442 = arith.cmpi slt, %scan3A_143, %lt3A_441 : i32
      %convert_element_type3A_443 = arith.extui %lt3A_442 : i1 to i32
      %cond3A_444 = arith.constant 0 : i32
      %cond3A_445 = arith.cmpi ne, %convert_element_type3A_443, %cond3A_444 : i32
      scf.if %cond3A_445 {
        %add3A_548 = arith.constant 8 : i32
        %add3A_549 = arith.addi %add3A_398, %add3A_548 : i32
        %dma_start3A_550 = arith.constant 5 : i32
        %dma_start3A_551 = arith.constant 5 : i32
        %dma_start3A_552 = arith.constant 0 : i32
        %dma_start3A_553 = arith.constant 0 : i32
        %dma_start3A_554 = tpu.memref_slice %arg8[%dma_start3A_550, %dma_start3A_552, %dma_start3A_553] : memref<8x128x32xf32, #tpu.memory_space<vmem>> -> memref<1x128x32xf32, #tpu.memory_space<vmem>>
        %dma_start3A_555 = tpu.memref_squeeze %dma_start3A_554 : memref<1x128x32xf32, #tpu.memory_space<vmem>> -> memref<128x32xf32, #tpu.memory_space<vmem>>
        %dma_start3A_556 = arith.constant 0 : i32
        %dma_start3A_557 = tpu.memref_slice %arg6[%add3A_549, %dma_start3A_556] : memref<80x128xi32, #tpu.memory_space<vmem>> -> memref<1x128xi32, #tpu.memory_space<vmem>>
        %dma_start3A_558 = tpu.memref_squeeze %dma_start3A_557 : memref<1x128xi32, #tpu.memory_space<vmem>> -> memref<128xi32, #tpu.memory_space<vmem>>
        %dma_start3A_559 = arith.constant 0 : i32
        %dma_start3A_560 = arith.constant 0 : i32
        %dma_start3A_561 = tpu.memref_slice %arg11[%dma_start3A_559, %dma_start3A_560] : memref<10240x32xf32, #tpu.memory_space<vmem_shared>> -> memref<10240x32xf32, #tpu.memory_space<vmem_shared>>
        %dma_start3A_562 = tpu.memref_slice %arg12[%dma_start3A_551] : memref<8x!tpu.dma_semaphore, #tpu.memory_space<semaphore_mem>> -> memref<1x!tpu.dma_semaphore, #tpu.memory_space<semaphore_mem>>
        %dma_start3A_563 = tpu.memref_squeeze %dma_start3A_562 : memref<1x!tpu.dma_semaphore, #tpu.memory_space<semaphore_mem>> -> memref<!tpu.dma_semaphore, #tpu.memory_space<semaphore_mem>>
        tpu.enqueue_indirect_dma source(%dma_start3A_561 : memref<10240x32xf32, #tpu.memory_space<vmem_shared>>) target(%dma_start3A_555 : memref<128x32xf32, #tpu.memory_space<vmem>>) offsets(%dma_start3A_558 : memref<128xi32, #tpu.memory_space<vmem>>) semaphore(%dma_start3A_563 : memref<!tpu.dma_semaphore, #tpu.memory_space<semaphore_mem>>)
      } else {
      }
      %mul3A_446 = arith.constant 8 : i32
      %mul3A_447 = arith.muli %scan3A_143, %mul3A_446 : i32
      %add3A_448 = arith.constant 6 : i32
      %add3A_449 = arith.addi %mul3A_447, %add3A_448 : i32
      %dma_wait3A_450 = arith.constant 6 : i32
      %dma_wait3A_451 = arith.constant 6 : i32
      %dma_wait3A_452 = arith.constant 0 : i32
      %dma_wait3A_453 = arith.constant 0 : i32
      %dma_wait3A_454 = tpu.memref_slice %arg8[%dma_wait3A_450, %dma_wait3A_452, %dma_wait3A_453] : memref<8x128x32xf32, #tpu.memory_space<vmem>> -> memref<1x128x32xf32, #tpu.memory_space<vmem>>
      %dma_wait3A_455 = tpu.memref_squeeze %dma_wait3A_454 : memref<1x128x32xf32, #tpu.memory_space<vmem>> -> memref<128x32xf32, #tpu.memory_space<vmem>>
      %dma_wait3A_456 = arith.constant 0 : i32
      %dma_wait3A_457 = tpu.memref_slice %arg6[%add3A_449, %dma_wait3A_456] : memref<80x128xi32, #tpu.memory_space<vmem>> -> memref<1x128xi32, #tpu.memory_space<vmem>>
      %dma_wait3A_458 = tpu.memref_squeeze %dma_wait3A_457 : memref<1x128xi32, #tpu.memory_space<vmem>> -> memref<128xi32, #tpu.memory_space<vmem>>
      %dma_wait3A_459 = arith.constant 0 : i32
      %dma_wait3A_460 = arith.constant 0 : i32
      %dma_wait3A_461 = tpu.memref_slice %arg11[%dma_wait3A_459, %dma_wait3A_460] : memref<10240x32xf32, #tpu.memory_space<vmem_shared>> -> memref<10240x32xf32, #tpu.memory_space<vmem_shared>>
      %dma_wait3A_462 = tpu.memref_slice %arg12[%dma_wait3A_451] : memref<8x!tpu.dma_semaphore, #tpu.memory_space<semaphore_mem>> -> memref<1x!tpu.dma_semaphore, #tpu.memory_space<semaphore_mem>>
      %dma_wait3A_463 = tpu.memref_squeeze %dma_wait3A_462 : memref<1x!tpu.dma_semaphore, #tpu.memory_space<semaphore_mem>> -> memref<!tpu.dma_semaphore, #tpu.memory_space<semaphore_mem>>
      tpu.wait_indirect_dma semaphore(%dma_wait3A_463 : memref<!tpu.dma_semaphore, #tpu.memory_space<semaphore_mem>>) src(%dma_wait3A_461 : memref<10240x32xf32, #tpu.memory_space<vmem_shared>>) dst(%dma_wait3A_455 : memref<128x32xf32, #tpu.memory_space<vmem>>)
      %dma_start3A_464 = arith.constant 6 : i32
      %dma_start3A_465 = arith.constant 6 : i32
      %dma_start3A_466 = arith.constant 0 : i32
      %dma_start3A_467 = arith.constant 0 : i32
      %dma_start3A_468 = tpu.memref_slice %arg8[%dma_start3A_464, %dma_start3A_466, %dma_start3A_467] : memref<8x128x32xf32, #tpu.memory_space<vmem>> -> memref<1x128x32xf32, #tpu.memory_space<vmem>>
      %dma_start3A_469 = tpu.memref_squeeze %dma_start3A_468 : memref<1x128x32xf32, #tpu.memory_space<vmem>> -> memref<128x32xf32, #tpu.memory_space<vmem>>
      %dma_start3A_470 = arith.constant 0 : i32
      %dma_start3A_471 = tpu.memref_slice %arg7[%add3A_449, %dma_start3A_470] : memref<80x128xi32, #tpu.memory_space<vmem>> -> memref<1x128xi32, #tpu.memory_space<vmem>>
      %dma_start3A_472 = tpu.memref_squeeze %dma_start3A_471 : memref<1x128xi32, #tpu.memory_space<vmem>> -> memref<128xi32, #tpu.memory_space<vmem>>
      %dma_start3A_473 = arith.constant 0 : i32
      %dma_start3A_474 = arith.constant 0 : i32
      %dma_start3A_475 = tpu.memref_slice %arg10[%dma_start3A_473, %dma_start3A_474] : memref<10240x32xf32, #tpu.memory_space<vmem_shared>> -> memref<10240x32xf32, #tpu.memory_space<vmem_shared>>
      %dma_start3A_476 = tpu.memref_slice %arg13[%dma_start3A_465] : memref<8x!tpu.dma_semaphore, #tpu.memory_space<semaphore_mem>> -> memref<1x!tpu.dma_semaphore, #tpu.memory_space<semaphore_mem>>
      %dma_start3A_477 = tpu.memref_squeeze %dma_start3A_476 : memref<1x!tpu.dma_semaphore, #tpu.memory_space<semaphore_mem>> -> memref<!tpu.dma_semaphore, #tpu.memory_space<semaphore_mem>>
      tpu.enqueue_indirect_dma source(%dma_start3A_469 : memref<128x32xf32, #tpu.memory_space<vmem>>) target(%dma_start3A_475 : memref<10240x32xf32, #tpu.memory_space<vmem_shared>>) offsets(%dma_start3A_472 : memref<128xi32, #tpu.memory_space<vmem>>) semaphore(%dma_start3A_477 : memref<!tpu.dma_semaphore, #tpu.memory_space<semaphore_mem>>) {add = true}
      %dma_wait3A_478 = arith.constant 6 : i32
      %dma_wait3A_479 = arith.constant 6 : i32
      %dma_wait3A_480 = arith.constant 0 : i32
      %dma_wait3A_481 = arith.constant 0 : i32
      %dma_wait3A_482 = tpu.memref_slice %arg8[%dma_wait3A_478, %dma_wait3A_480, %dma_wait3A_481] : memref<8x128x32xf32, #tpu.memory_space<vmem>> -> memref<1x128x32xf32, #tpu.memory_space<vmem>>
      %dma_wait3A_483 = tpu.memref_squeeze %dma_wait3A_482 : memref<1x128x32xf32, #tpu.memory_space<vmem>> -> memref<128x32xf32, #tpu.memory_space<vmem>>
      %dma_wait3A_484 = arith.constant 0 : i32
      %dma_wait3A_485 = tpu.memref_slice %arg7[%add3A_449, %dma_wait3A_484] : memref<80x128xi32, #tpu.memory_space<vmem>> -> memref<1x128xi32, #tpu.memory_space<vmem>>
      %dma_wait3A_486 = tpu.memref_squeeze %dma_wait3A_485 : memref<1x128xi32, #tpu.memory_space<vmem>> -> memref<128xi32, #tpu.memory_space<vmem>>
      %dma_wait3A_487 = arith.constant 0 : i32
      %dma_wait3A_488 = arith.constant 0 : i32
      %dma_wait3A_489 = tpu.memref_slice %arg10[%dma_wait3A_487, %dma_wait3A_488] : memref<10240x32xf32, #tpu.memory_space<vmem_shared>> -> memref<10240x32xf32, #tpu.memory_space<vmem_shared>>
      %dma_wait3A_490 = tpu.memref_slice %arg13[%dma_wait3A_479] : memref<8x!tpu.dma_semaphore, #tpu.memory_space<semaphore_mem>> -> memref<1x!tpu.dma_semaphore, #tpu.memory_space<semaphore_mem>>
      %dma_wait3A_491 = tpu.memref_squeeze %dma_wait3A_490 : memref<1x!tpu.dma_semaphore, #tpu.memory_space<semaphore_mem>> -> memref<!tpu.dma_semaphore, #tpu.memory_space<semaphore_mem>>
      tpu.wait_indirect_dma semaphore(%dma_wait3A_491 : memref<!tpu.dma_semaphore, #tpu.memory_space<semaphore_mem>>) src(%dma_wait3A_483 : memref<128x32xf32, #tpu.memory_space<vmem>>) dst(%dma_wait3A_489 : memref<10240x32xf32, #tpu.memory_space<vmem_shared>>)
      %lt3A_492 = arith.constant 9 : i32
      %lt3A_493 = arith.cmpi slt, %scan3A_143, %lt3A_492 : i32
      %convert_element_type3A_494 = arith.extui %lt3A_493 : i1 to i32
      %cond3A_495 = arith.constant 0 : i32
      %cond3A_496 = arith.cmpi ne, %convert_element_type3A_494, %cond3A_495 : i32
      scf.if %cond3A_496 {
        %add3A_548 = arith.constant 8 : i32
        %add3A_549 = arith.addi %add3A_449, %add3A_548 : i32
        %dma_start3A_550 = arith.constant 6 : i32
        %dma_start3A_551 = arith.constant 6 : i32
        %dma_start3A_552 = arith.constant 0 : i32
        %dma_start3A_553 = arith.constant 0 : i32
        %dma_start3A_554 = tpu.memref_slice %arg8[%dma_start3A_550, %dma_start3A_552, %dma_start3A_553] : memref<8x128x32xf32, #tpu.memory_space<vmem>> -> memref<1x128x32xf32, #tpu.memory_space<vmem>>
        %dma_start3A_555 = tpu.memref_squeeze %dma_start3A_554 : memref<1x128x32xf32, #tpu.memory_space<vmem>> -> memref<128x32xf32, #tpu.memory_space<vmem>>
        %dma_start3A_556 = arith.constant 0 : i32
        %dma_start3A_557 = tpu.memref_slice %arg6[%add3A_549, %dma_start3A_556] : memref<80x128xi32, #tpu.memory_space<vmem>> -> memref<1x128xi32, #tpu.memory_space<vmem>>
        %dma_start3A_558 = tpu.memref_squeeze %dma_start3A_557 : memref<1x128xi32, #tpu.memory_space<vmem>> -> memref<128xi32, #tpu.memory_space<vmem>>
        %dma_start3A_559 = arith.constant 0 : i32
        %dma_start3A_560 = arith.constant 0 : i32
        %dma_start3A_561 = tpu.memref_slice %arg11[%dma_start3A_559, %dma_start3A_560] : memref<10240x32xf32, #tpu.memory_space<vmem_shared>> -> memref<10240x32xf32, #tpu.memory_space<vmem_shared>>
        %dma_start3A_562 = tpu.memref_slice %arg12[%dma_start3A_551] : memref<8x!tpu.dma_semaphore, #tpu.memory_space<semaphore_mem>> -> memref<1x!tpu.dma_semaphore, #tpu.memory_space<semaphore_mem>>
        %dma_start3A_563 = tpu.memref_squeeze %dma_start3A_562 : memref<1x!tpu.dma_semaphore, #tpu.memory_space<semaphore_mem>> -> memref<!tpu.dma_semaphore, #tpu.memory_space<semaphore_mem>>
        tpu.enqueue_indirect_dma source(%dma_start3A_561 : memref<10240x32xf32, #tpu.memory_space<vmem_shared>>) target(%dma_start3A_555 : memref<128x32xf32, #tpu.memory_space<vmem>>) offsets(%dma_start3A_558 : memref<128xi32, #tpu.memory_space<vmem>>) semaphore(%dma_start3A_563 : memref<!tpu.dma_semaphore, #tpu.memory_space<semaphore_mem>>)
      } else {
      }
      %mul3A_497 = arith.constant 8 : i32
      %mul3A_498 = arith.muli %scan3A_143, %mul3A_497 : i32
      %add3A_499 = arith.constant 7 : i32
      %add3A_500 = arith.addi %mul3A_498, %add3A_499 : i32
      %dma_wait3A_501 = arith.constant 7 : i32
      %dma_wait3A_502 = arith.constant 7 : i32
      %dma_wait3A_503 = arith.constant 0 : i32
      %dma_wait3A_504 = arith.constant 0 : i32
      %dma_wait3A_505 = tpu.memref_slice %arg8[%dma_wait3A_501, %dma_wait3A_503, %dma_wait3A_504] : memref<8x128x32xf32, #tpu.memory_space<vmem>> -> memref<1x128x32xf32, #tpu.memory_space<vmem>>
      %dma_wait3A_506 = tpu.memref_squeeze %dma_wait3A_505 : memref<1x128x32xf32, #tpu.memory_space<vmem>> -> memref<128x32xf32, #tpu.memory_space<vmem>>
      %dma_wait3A_507 = arith.constant 0 : i32
      %dma_wait3A_508 = tpu.memref_slice %arg6[%add3A_500, %dma_wait3A_507] : memref<80x128xi32, #tpu.memory_space<vmem>> -> memref<1x128xi32, #tpu.memory_space<vmem>>
      %dma_wait3A_509 = tpu.memref_squeeze %dma_wait3A_508 : memref<1x128xi32, #tpu.memory_space<vmem>> -> memref<128xi32, #tpu.memory_space<vmem>>
      %dma_wait3A_510 = arith.constant 0 : i32
      %dma_wait3A_511 = arith.constant 0 : i32
      %dma_wait3A_512 = tpu.memref_slice %arg11[%dma_wait3A_510, %dma_wait3A_511] : memref<10240x32xf32, #tpu.memory_space<vmem_shared>> -> memref<10240x32xf32, #tpu.memory_space<vmem_shared>>
      %dma_wait3A_513 = tpu.memref_slice %arg12[%dma_wait3A_502] : memref<8x!tpu.dma_semaphore, #tpu.memory_space<semaphore_mem>> -> memref<1x!tpu.dma_semaphore, #tpu.memory_space<semaphore_mem>>
      %dma_wait3A_514 = tpu.memref_squeeze %dma_wait3A_513 : memref<1x!tpu.dma_semaphore, #tpu.memory_space<semaphore_mem>> -> memref<!tpu.dma_semaphore, #tpu.memory_space<semaphore_mem>>
      tpu.wait_indirect_dma semaphore(%dma_wait3A_514 : memref<!tpu.dma_semaphore, #tpu.memory_space<semaphore_mem>>) src(%dma_wait3A_512 : memref<10240x32xf32, #tpu.memory_space<vmem_shared>>) dst(%dma_wait3A_506 : memref<128x32xf32, #tpu.memory_space<vmem>>)
      %dma_start3A_515 = arith.constant 7 : i32
      %dma_start3A_516 = arith.constant 7 : i32
      %dma_start3A_517 = arith.constant 0 : i32
      %dma_start3A_518 = arith.constant 0 : i32
      %dma_start3A_519 = tpu.memref_slice %arg8[%dma_start3A_515, %dma_start3A_517, %dma_start3A_518] : memref<8x128x32xf32, #tpu.memory_space<vmem>> -> memref<1x128x32xf32, #tpu.memory_space<vmem>>
      %dma_start3A_520 = tpu.memref_squeeze %dma_start3A_519 : memref<1x128x32xf32, #tpu.memory_space<vmem>> -> memref<128x32xf32, #tpu.memory_space<vmem>>
      %dma_start3A_521 = arith.constant 0 : i32
      %dma_start3A_522 = tpu.memref_slice %arg7[%add3A_500, %dma_start3A_521] : memref<80x128xi32, #tpu.memory_space<vmem>> -> memref<1x128xi32, #tpu.memory_space<vmem>>
      %dma_start3A_523 = tpu.memref_squeeze %dma_start3A_522 : memref<1x128xi32, #tpu.memory_space<vmem>> -> memref<128xi32, #tpu.memory_space<vmem>>
      %dma_start3A_524 = arith.constant 0 : i32
      %dma_start3A_525 = arith.constant 0 : i32
      %dma_start3A_526 = tpu.memref_slice %arg10[%dma_start3A_524, %dma_start3A_525] : memref<10240x32xf32, #tpu.memory_space<vmem_shared>> -> memref<10240x32xf32, #tpu.memory_space<vmem_shared>>
      %dma_start3A_527 = tpu.memref_slice %arg13[%dma_start3A_516] : memref<8x!tpu.dma_semaphore, #tpu.memory_space<semaphore_mem>> -> memref<1x!tpu.dma_semaphore, #tpu.memory_space<semaphore_mem>>
      %dma_start3A_528 = tpu.memref_squeeze %dma_start3A_527 : memref<1x!tpu.dma_semaphore, #tpu.memory_space<semaphore_mem>> -> memref<!tpu.dma_semaphore, #tpu.memory_space<semaphore_mem>>
      tpu.enqueue_indirect_dma source(%dma_start3A_520 : memref<128x32xf32, #tpu.memory_space<vmem>>) target(%dma_start3A_526 : memref<10240x32xf32, #tpu.memory_space<vmem_shared>>) offsets(%dma_start3A_523 : memref<128xi32, #tpu.memory_space<vmem>>) semaphore(%dma_start3A_528 : memref<!tpu.dma_semaphore, #tpu.memory_space<semaphore_mem>>) {add = true}
      %dma_wait3A_529 = arith.constant 7 : i32
      %dma_wait3A_530 = arith.constant 7 : i32
      %dma_wait3A_531 = arith.constant 0 : i32
      %dma_wait3A_532 = arith.constant 0 : i32
      %dma_wait3A_533 = tpu.memref_slice %arg8[%dma_wait3A_529, %dma_wait3A_531, %dma_wait3A_532] : memref<8x128x32xf32, #tpu.memory_space<vmem>> -> memref<1x128x32xf32, #tpu.memory_space<vmem>>
      %dma_wait3A_534 = tpu.memref_squeeze %dma_wait3A_533 : memref<1x128x32xf32, #tpu.memory_space<vmem>> -> memref<128x32xf32, #tpu.memory_space<vmem>>
      %dma_wait3A_535 = arith.constant 0 : i32
      %dma_wait3A_536 = tpu.memref_slice %arg7[%add3A_500, %dma_wait3A_535] : memref<80x128xi32, #tpu.memory_space<vmem>> -> memref<1x128xi32, #tpu.memory_space<vmem>>
      %dma_wait3A_537 = tpu.memref_squeeze %dma_wait3A_536 : memref<1x128xi32, #tpu.memory_space<vmem>> -> memref<128xi32, #tpu.memory_space<vmem>>
      %dma_wait3A_538 = arith.constant 0 : i32
      %dma_wait3A_539 = arith.constant 0 : i32
      %dma_wait3A_540 = tpu.memref_slice %arg10[%dma_wait3A_538, %dma_wait3A_539] : memref<10240x32xf32, #tpu.memory_space<vmem_shared>> -> memref<10240x32xf32, #tpu.memory_space<vmem_shared>>
      %dma_wait3A_541 = tpu.memref_slice %arg13[%dma_wait3A_530] : memref<8x!tpu.dma_semaphore, #tpu.memory_space<semaphore_mem>> -> memref<1x!tpu.dma_semaphore, #tpu.memory_space<semaphore_mem>>
      %dma_wait3A_542 = tpu.memref_squeeze %dma_wait3A_541 : memref<1x!tpu.dma_semaphore, #tpu.memory_space<semaphore_mem>> -> memref<!tpu.dma_semaphore, #tpu.memory_space<semaphore_mem>>
      tpu.wait_indirect_dma semaphore(%dma_wait3A_542 : memref<!tpu.dma_semaphore, #tpu.memory_space<semaphore_mem>>) src(%dma_wait3A_534 : memref<128x32xf32, #tpu.memory_space<vmem>>) dst(%dma_wait3A_540 : memref<10240x32xf32, #tpu.memory_space<vmem_shared>>)
      %lt3A_543 = arith.constant 9 : i32
      %lt3A_544 = arith.cmpi slt, %scan3A_143, %lt3A_543 : i32
      %convert_element_type3A_545 = arith.extui %lt3A_544 : i1 to i32
      %cond3A_546 = arith.constant 0 : i32
      %cond3A_547 = arith.cmpi ne, %convert_element_type3A_545, %cond3A_546 : i32
      scf.if %cond3A_547 {
        %add3A_548 = arith.constant 8 : i32
        %add3A_549 = arith.addi %add3A_500, %add3A_548 : i32
        %dma_start3A_550 = arith.constant 7 : i32
        %dma_start3A_551 = arith.constant 7 : i32
        %dma_start3A_552 = arith.constant 0 : i32
        %dma_start3A_553 = arith.constant 0 : i32
        %dma_start3A_554 = tpu.memref_slice %arg8[%dma_start3A_550, %dma_start3A_552, %dma_start3A_553] : memref<8x128x32xf32, #tpu.memory_space<vmem>> -> memref<1x128x32xf32, #tpu.memory_space<vmem>>
        %dma_start3A_555 = tpu.memref_squeeze %dma_start3A_554 : memref<1x128x32xf32, #tpu.memory_space<vmem>> -> memref<128x32xf32, #tpu.memory_space<vmem>>
        %dma_start3A_556 = arith.constant 0 : i32
        %dma_start3A_557 = tpu.memref_slice %arg6[%add3A_549, %dma_start3A_556] : memref<80x128xi32, #tpu.memory_space<vmem>> -> memref<1x128xi32, #tpu.memory_space<vmem>>
        %dma_start3A_558 = tpu.memref_squeeze %dma_start3A_557 : memref<1x128xi32, #tpu.memory_space<vmem>> -> memref<128xi32, #tpu.memory_space<vmem>>
        %dma_start3A_559 = arith.constant 0 : i32
        %dma_start3A_560 = arith.constant 0 : i32
        %dma_start3A_561 = tpu.memref_slice %arg11[%dma_start3A_559, %dma_start3A_560] : memref<10240x32xf32, #tpu.memory_space<vmem_shared>> -> memref<10240x32xf32, #tpu.memory_space<vmem_shared>>
        %dma_start3A_562 = tpu.memref_slice %arg12[%dma_start3A_551] : memref<8x!tpu.dma_semaphore, #tpu.memory_space<semaphore_mem>> -> memref<1x!tpu.dma_semaphore, #tpu.memory_space<semaphore_mem>>
        %dma_start3A_563 = tpu.memref_squeeze %dma_start3A_562 : memref<1x!tpu.dma_semaphore, #tpu.memory_space<semaphore_mem>> -> memref<!tpu.dma_semaphore, #tpu.memory_space<semaphore_mem>>
        tpu.enqueue_indirect_dma source(%dma_start3A_561 : memref<10240x32xf32, #tpu.memory_space<vmem_shared>>) target(%dma_start3A_555 : memref<128x32xf32, #tpu.memory_space<vmem>>) offsets(%dma_start3A_558 : memref<128xi32, #tpu.memory_space<vmem>>) semaphore(%dma_start3A_563 : memref<!tpu.dma_semaphore, #tpu.memory_space<semaphore_mem>>)
      } else {
      }
    }
    %scan3A_137 = arith.constant 10 : i32
    %barrier3A_138 = arith.constant 0 : index
    tpu.barrier barrier_id(%barrier3A_138)
    %mul3A_139 = arith.constant 640 : i32
    %mul3A_140 = arith.muli %arg1, %mul3A_139 : i32
    "tpu.region"() ({
      %run_scoped3A = tpu.sem_alloc : memref<!tpu.dma_semaphore, #tpu.memory_space<semaphore_mem>>
      %dma_start3A_143 = arith.constant 0 : i32
      %dma_start3A_144 = tpu.memref_slice %arg10[%mul3A_140, %dma_start3A_143] : memref<10240x32xf32, #tpu.memory_space<vmem_shared>> -> memref<640x32xf32, #tpu.memory_space<vmem_shared>>
      %dma_start3A_145 = arith.constant 0 : i32
      %dma_start3A_146 = tpu.memref_slice %arg10[%mul3A_140, %dma_start3A_145] : memref<10240x32xf32, #tpu.memory_space<vmem_shared>> -> memref<640x32xf32, #tpu.memory_space<vmem_shared>>
      tpu.enqueue_dma source(%dma_start3A_146 : memref<640x32xf32, #tpu.memory_space<vmem_shared>>) target(%arg9 : memref<640x32xf32, #tpu.memory_space<vmem>>) target_semaphore(%run_scoped3A : memref<!tpu.dma_semaphore, #tpu.memory_space<semaphore_mem>>)
      %dma_wait3A = arith.constant 0 : i32
      %dma_wait3A_147 = tpu.memref_slice %arg10[%mul3A_140, %dma_wait3A] : memref<10240x32xf32, #tpu.memory_space<vmem_shared>> -> memref<640x32xf32, #tpu.memory_space<vmem_shared>>
      %dma_wait3A_148 = arith.constant 0 : i32
      %dma_wait3A_149 = tpu.memref_slice %arg10[%mul3A_140, %dma_wait3A_148] : memref<10240x32xf32, #tpu.memory_space<vmem_shared>> -> memref<640x32xf32, #tpu.memory_space<vmem_shared>>
      tpu.wait_dma2 semaphore(%run_scoped3A : memref<!tpu.dma_semaphore, #tpu.memory_space<semaphore_mem>>) src(%dma_wait3A_149 : memref<640x32xf32, #tpu.memory_space<vmem_shared>>) dst(%arg9 : memref<640x32xf32, #tpu.memory_space<vmem>>)
      tpu.yield
    }) : () -> ()
    %mul3A_141 = arith.constant 640 : i32
    %mul3A_142 = arith.muli %arg1, %mul3A_141 : i32
    "tpu.region"() ({
      %run_scoped3A = tpu.sem_alloc : memref<!tpu.dma_semaphore, #tpu.memory_space<semaphore_mem>>
      %dma_start3A_143 = arith.constant 0 : i32
      %dma_start3A_144 = tpu.memref_slice %arg5[%arg0, %mul3A_142, %dma_start3A_143] : memref<2x10240x32xf32, #tpu.memory_space<hbm>> -> memref<1x640x32xf32, #tpu.memory_space<hbm>>
      %dma_start3A_145 = tpu.memref_squeeze %dma_start3A_144 : memref<1x640x32xf32, #tpu.memory_space<hbm>> -> memref<640x32xf32, #tpu.memory_space<hbm>>
      %dma_start3A_146 = arith.constant 0 : i32
      %dma_start3A_147 = tpu.memref_slice %arg5[%arg0, %mul3A_142, %dma_start3A_146] : memref<2x10240x32xf32, #tpu.memory_space<hbm>> -> memref<1x640x32xf32, #tpu.memory_space<hbm>>
      %dma_start3A_148 = tpu.memref_squeeze %dma_start3A_147 : memref<1x640x32xf32, #tpu.memory_space<hbm>> -> memref<640x32xf32, #tpu.memory_space<hbm>>
      tpu.enqueue_dma source(%arg9 : memref<640x32xf32, #tpu.memory_space<vmem>>) target(%dma_start3A_148 : memref<640x32xf32, #tpu.memory_space<hbm>>) target_semaphore(%run_scoped3A : memref<!tpu.dma_semaphore, #tpu.memory_space<semaphore_mem>>)
      %dma_wait3A = arith.constant 0 : i32
      %dma_wait3A_149 = tpu.memref_slice %arg5[%arg0, %mul3A_142, %dma_wait3A] : memref<2x10240x32xf32, #tpu.memory_space<hbm>> -> memref<1x640x32xf32, #tpu.memory_space<hbm>>
      %dma_wait3A_150 = tpu.memref_squeeze %dma_wait3A_149 : memref<1x640x32xf32, #tpu.memory_space<hbm>> -> memref<640x32xf32, #tpu.memory_space<hbm>>
      %dma_wait3A_151 = arith.constant 0 : i32
      %dma_wait3A_152 = tpu.memref_slice %arg5[%arg0, %mul3A_142, %dma_wait3A_151] : memref<2x10240x32xf32, #tpu.memory_space<hbm>> -> memref<1x640x32xf32, #tpu.memory_space<hbm>>
      %dma_wait3A_153 = tpu.memref_squeeze %dma_wait3A_152 : memref<1x640x32xf32, #tpu.memory_space<hbm>> -> memref<640x32xf32, #tpu.memory_space<hbm>>
      tpu.wait_dma2 semaphore(%run_scoped3A : memref<!tpu.dma_semaphore, #tpu.memory_space<semaphore_mem>>) src(%arg9 : memref<640x32xf32, #tpu.memory_space<vmem>>) dst(%dma_wait3A_153 : memref<640x32xf32, #tpu.memory_space<hbm>>)
      tpu.yield
    }) : () -> ()
    return
  }
}

#map = affine_map<(d0, d1) -> (0)>
#map1 = affine_map<(d0, d1) -> (0, 0, 0)>
#map2 = affine_map<(d0, d1) -> (0, 0)>
module attributes {stable_mosaic.version = 14 : i64} {
  func.func @_sc_scalar(%arg0: i32, %arg1: i32, %arg2: memref<10240xf32, #tpu.memory_space<hbm>>, %arg3: memref<32x80x128xi32, #tpu.memory_space<hbm>>, %arg4: memref<32x80x128xi32, #tpu.memory_space<hbm>>, %arg5: memref<32x10240xf32, #tpu.memory_space<hbm>>, %arg6: memref<80x128xi32, #tpu.memory_space<vmem>>, %arg7: memref<80x128xi32, #tpu.memory_space<vmem>>, %arg8: memref<10240xf32, #tpu.memory_space<vmem>>, %arg9: memref<10240xf32, #tpu.memory_space<vmem>>) attributes {dimension_semantics = [#tpu.dimension_semantics<core_parallel>, #tpu.dimension_semantics<subcore_parallel>], iteration_bounds = array<i64: 2, 16>, scalar_prefetch = 0 : i64, scratch_operands = 4 : i64, tpu.core_type = #tpu.core_type<sc_vector_subcore>, window_params = [{transform_indices = #map}, {transform_indices = #map1}, {transform_indices = #map1}, {transform_indices = #map2}]} {
    %mul3A = arith.constant 2 : i32
    %mul3A_0 = arith.muli %arg1, %mul3A : i32
    %add3A = arith.addi %mul3A_0, %arg0 : i32
    "tpu.region"() ({
      %run_scoped3A = tpu.sem_alloc : memref<!tpu.dma_semaphore, #tpu.memory_space<semaphore_mem>>
      tpu.enqueue_dma source(%arg2 : memref<10240xf32, #tpu.memory_space<hbm>>) target(%arg8 : memref<10240xf32, #tpu.memory_space<vmem>>) target_semaphore(%run_scoped3A : memref<!tpu.dma_semaphore, #tpu.memory_space<semaphore_mem>>)
      tpu.wait_dma2 semaphore(%run_scoped3A : memref<!tpu.dma_semaphore, #tpu.memory_space<semaphore_mem>>) src(%arg2 : memref<10240xf32, #tpu.memory_space<hbm>>) dst(%arg8 : memref<10240xf32, #tpu.memory_space<vmem>>)
      tpu.yield
    }) : () -> ()
    "tpu.region"() ({
      %run_scoped3A = tpu.sem_alloc : memref<!tpu.dma_semaphore, #tpu.memory_space<semaphore_mem>>
      %dma_start3A = arith.constant 0 : i32
      %dma_start3A_12 = arith.constant 0 : i32
      %dma_start3A_13 = tpu.memref_slice %arg3[%add3A, %dma_start3A, %dma_start3A_12] : memref<32x80x128xi32, #tpu.memory_space<hbm>> -> memref<1x80x128xi32, #tpu.memory_space<hbm>>
      %dma_start3A_14 = tpu.memref_squeeze %dma_start3A_13 : memref<1x80x128xi32, #tpu.memory_space<hbm>> -> memref<80x128xi32, #tpu.memory_space<hbm>>
      %dma_start3A_15 = arith.constant 0 : i32
      %dma_start3A_16 = arith.constant 0 : i32
      %dma_start3A_17 = tpu.memref_slice %arg3[%add3A, %dma_start3A_15, %dma_start3A_16] : memref<32x80x128xi32, #tpu.memory_space<hbm>> -> memref<1x80x128xi32, #tpu.memory_space<hbm>>
      %dma_start3A_18 = tpu.memref_squeeze %dma_start3A_17 : memref<1x80x128xi32, #tpu.memory_space<hbm>> -> memref<80x128xi32, #tpu.memory_space<hbm>>
      tpu.enqueue_dma source(%dma_start3A_18 : memref<80x128xi32, #tpu.memory_space<hbm>>) target(%arg6 : memref<80x128xi32, #tpu.memory_space<vmem>>) target_semaphore(%run_scoped3A : memref<!tpu.dma_semaphore, #tpu.memory_space<semaphore_mem>>)
      %dma_wait3A = arith.constant 0 : i32
      %dma_wait3A_19 = arith.constant 0 : i32
      %dma_wait3A_20 = tpu.memref_slice %arg3[%add3A, %dma_wait3A, %dma_wait3A_19] : memref<32x80x128xi32, #tpu.memory_space<hbm>> -> memref<1x80x128xi32, #tpu.memory_space<hbm>>
      %dma_wait3A_21 = tpu.memref_squeeze %dma_wait3A_20 : memref<1x80x128xi32, #tpu.memory_space<hbm>> -> memref<80x128xi32, #tpu.memory_space<hbm>>
      %dma_wait3A_22 = arith.constant 0 : i32
      %dma_wait3A_23 = arith.constant 0 : i32
      %dma_wait3A_24 = tpu.memref_slice %arg3[%add3A, %dma_wait3A_22, %dma_wait3A_23] : memref<32x80x128xi32, #tpu.memory_space<hbm>> -> memref<1x80x128xi32, #tpu.memory_space<hbm>>
      %dma_wait3A_25 = tpu.memref_squeeze %dma_wait3A_24 : memref<1x80x128xi32, #tpu.memory_space<hbm>> -> memref<80x128xi32, #tpu.memory_space<hbm>>
      tpu.wait_dma2 semaphore(%run_scoped3A : memref<!tpu.dma_semaphore, #tpu.memory_space<semaphore_mem>>) src(%dma_wait3A_25 : memref<80x128xi32, #tpu.memory_space<hbm>>) dst(%arg6 : memref<80x128xi32, #tpu.memory_space<vmem>>)
      tpu.yield
    }) : () -> ()
    "tpu.region"() ({
      %run_scoped3A = tpu.sem_alloc : memref<!tpu.dma_semaphore, #tpu.memory_space<semaphore_mem>>
      %dma_start3A = arith.constant 0 : i32
      %dma_start3A_12 = arith.constant 0 : i32
      %dma_start3A_13 = tpu.memref_slice %arg4[%add3A, %dma_start3A, %dma_start3A_12] : memref<32x80x128xi32, #tpu.memory_space<hbm>> -> memref<1x80x128xi32, #tpu.memory_space<hbm>>
      %dma_start3A_14 = tpu.memref_squeeze %dma_start3A_13 : memref<1x80x128xi32, #tpu.memory_space<hbm>> -> memref<80x128xi32, #tpu.memory_space<hbm>>
      %dma_start3A_15 = arith.constant 0 : i32
      %dma_start3A_16 = arith.constant 0 : i32
      %dma_start3A_17 = tpu.memref_slice %arg4[%add3A, %dma_start3A_15, %dma_start3A_16] : memref<32x80x128xi32, #tpu.memory_space<hbm>> -> memref<1x80x128xi32, #tpu.memory_space<hbm>>
      %dma_start3A_18 = tpu.memref_squeeze %dma_start3A_17 : memref<1x80x128xi32, #tpu.memory_space<hbm>> -> memref<80x128xi32, #tpu.memory_space<hbm>>
      tpu.enqueue_dma source(%dma_start3A_18 : memref<80x128xi32, #tpu.memory_space<hbm>>) target(%arg7 : memref<80x128xi32, #tpu.memory_space<vmem>>) target_semaphore(%run_scoped3A : memref<!tpu.dma_semaphore, #tpu.memory_space<semaphore_mem>>)
      %dma_wait3A = arith.constant 0 : i32
      %dma_wait3A_19 = arith.constant 0 : i32
      %dma_wait3A_20 = tpu.memref_slice %arg4[%add3A, %dma_wait3A, %dma_wait3A_19] : memref<32x80x128xi32, #tpu.memory_space<hbm>> -> memref<1x80x128xi32, #tpu.memory_space<hbm>>
      %dma_wait3A_21 = tpu.memref_squeeze %dma_wait3A_20 : memref<1x80x128xi32, #tpu.memory_space<hbm>> -> memref<80x128xi32, #tpu.memory_space<hbm>>
      %dma_wait3A_22 = arith.constant 0 : i32
      %dma_wait3A_23 = arith.constant 0 : i32
      %dma_wait3A_24 = tpu.memref_slice %arg4[%add3A, %dma_wait3A_22, %dma_wait3A_23] : memref<32x80x128xi32, #tpu.memory_space<hbm>> -> memref<1x80x128xi32, #tpu.memory_space<hbm>>
      %dma_wait3A_25 = tpu.memref_squeeze %dma_wait3A_24 : memref<1x80x128xi32, #tpu.memory_space<hbm>> -> memref<80x128xi32, #tpu.memory_space<hbm>>
      tpu.wait_dma2 semaphore(%run_scoped3A : memref<!tpu.dma_semaphore, #tpu.memory_space<semaphore_mem>>) src(%dma_wait3A_25 : memref<80x128xi32, #tpu.memory_space<hbm>>) dst(%arg7 : memref<80x128xi32, #tpu.memory_space<vmem>>)
      tpu.yield
    }) : () -> ()
    %scan3A = arith.constant 0 : i32
    %scan3A_1 = arith.constant 0 : i32
    %scan3A_2 = arith.constant 640 : i32
    %scan3A_3 = arith.addi %scan3A_1, %scan3A_2 : i32
    %scan3A_4 = arith.constant 1 : i32
    scf.for %scan3A_12 = %scan3A_1 to %scan3A_3 step %scan3A_4  : i32 {
      %broadcast_in_dim3A = arith.constant 0.000000e+00 : f32
      %broadcast_in_dim3A_13 = vector.broadcast %broadcast_in_dim3A : f32 to vector<16xf32>
      %mul3A_14 = arith.constant 16 : i32
      %mul3A_15 = arith.muli %scan3A_12, %mul3A_14 : i32
      %swap3A = arith.index_cast %mul3A_15 : i32 to index
      %swap3A_16 = tpu.vector_load %arg9[%swap3A] {strides = array<i32>} : memref<10240xf32, #tpu.memory_space<vmem>>, vector<16xf32>,
      tpu.vector_store %arg9[%swap3A], %broadcast_in_dim3A_13 {strides = array<i32>} : memref<10240xf32, #tpu.memory_space<vmem>>, vector<16xf32>,
    }
    %scan3A_5 = arith.constant 640 : i32
    %scan3A_6 = arith.constant 0 : i32
    %scan3A_7 = arith.constant 0 : i32
    %scan3A_8 = arith.constant 80 : i32
    %scan3A_9 = arith.addi %scan3A_7, %scan3A_8 : i32
    %scan3A_10 = arith.constant 1 : i32
    scf.for %scan3A_12 = %scan3A_7 to %scan3A_9 step %scan3A_10  : i32 {
      %get3A = arith.index_cast %scan3A_12 : i32 to index
      %get3A_13 = arith.constant 0 : index
      %get3A_14 = tpu.vector_load %arg6[%get3A, %get3A_13] {strides = array<i32>} : memref<80x128xi32, #tpu.memory_space<vmem>>, vector<16xi32>,
      %get3A_15 = arith.index_cast %scan3A_12 : i32 to index
      %get3A_16 = arith.constant 0 : index
      %get3A_17 = tpu.vector_load %arg7[%get3A_15, %get3A_16] {strides = array<i32>} : memref<80x128xi32, #tpu.memory_space<vmem>>, vector<16xi32>,
      %gather3A = tpu.vector_load_idx %arg8[%get3A_14] : memref<10240xf32, #tpu.memory_space<vmem>>[vector<16xi32>], vector<16xf32>,
      tpu.vector_store_idx %arg9[%get3A_17], %gather3A {add = true} : memref<10240xf32, #tpu.memory_space<vmem>>[vector<16xi32>], vector<16xf32>,
      %get3A_18 = arith.index_cast %scan3A_12 : i32 to index
      %get3A_19 = arith.constant 16 : index
      %get3A_20 = tpu.vector_load %arg6[%get3A_18, %get3A_19] {strides = array<i32>} : memref<80x128xi32, #tpu.memory_space<vmem>>, vector<16xi32>,
      %get3A_21 = arith.index_cast %scan3A_12 : i32 to index
      %get3A_22 = arith.constant 16 : index
      %get3A_23 = tpu.vector_load %arg7[%get3A_21, %get3A_22] {strides = array<i32>} : memref<80x128xi32, #tpu.memory_space<vmem>>, vector<16xi32>,
      %gather3A_24 = tpu.vector_load_idx %arg8[%get3A_20] : memref<10240xf32, #tpu.memory_space<vmem>>[vector<16xi32>], vector<16xf32>,
      tpu.vector_store_idx %arg9[%get3A_23], %gather3A_24 {add = true} : memref<10240xf32, #tpu.memory_space<vmem>>[vector<16xi32>], vector<16xf32>,
      %get3A_25 = arith.index_cast %scan3A_12 : i32 to index
      %get3A_26 = arith.constant 32 : index
      %get3A_27 = tpu.vector_load %arg6[%get3A_25, %get3A_26] {strides = array<i32>} : memref<80x128xi32, #tpu.memory_space<vmem>>, vector<16xi32>,
      %get3A_28 = arith.index_cast %scan3A_12 : i32 to index
      %get3A_29 = arith.constant 32 : index
      %get3A_30 = tpu.vector_load %arg7[%get3A_28, %get3A_29] {strides = array<i32>} : memref<80x128xi32, #tpu.memory_space<vmem>>, vector<16xi32>,
      %gather3A_31 = tpu.vector_load_idx %arg8[%get3A_27] : memref<10240xf32, #tpu.memory_space<vmem>>[vector<16xi32>], vector<16xf32>,
      tpu.vector_store_idx %arg9[%get3A_30], %gather3A_31 {add = true} : memref<10240xf32, #tpu.memory_space<vmem>>[vector<16xi32>], vector<16xf32>,
      %get3A_32 = arith.index_cast %scan3A_12 : i32 to index
      %get3A_33 = arith.constant 48 : index
      %get3A_34 = tpu.vector_load %arg6[%get3A_32, %get3A_33] {strides = array<i32>} : memref<80x128xi32, #tpu.memory_space<vmem>>, vector<16xi32>,
      %get3A_35 = arith.index_cast %scan3A_12 : i32 to index
      %get3A_36 = arith.constant 48 : index
      %get3A_37 = tpu.vector_load %arg7[%get3A_35, %get3A_36] {strides = array<i32>} : memref<80x128xi32, #tpu.memory_space<vmem>>, vector<16xi32>,
      %gather3A_38 = tpu.vector_load_idx %arg8[%get3A_34] : memref<10240xf32, #tpu.memory_space<vmem>>[vector<16xi32>], vector<16xf32>,
      tpu.vector_store_idx %arg9[%get3A_37], %gather3A_38 {add = true} : memref<10240xf32, #tpu.memory_space<vmem>>[vector<16xi32>], vector<16xf32>,
      %get3A_39 = arith.index_cast %scan3A_12 : i32 to index
      %get3A_40 = arith.constant 64 : index
      %get3A_41 = tpu.vector_load %arg6[%get3A_39, %get3A_40] {strides = array<i32>} : memref<80x128xi32, #tpu.memory_space<vmem>>, vector<16xi32>,
      %get3A_42 = arith.index_cast %scan3A_12 : i32 to index
      %get3A_43 = arith.constant 64 : index
      %get3A_44 = tpu.vector_load %arg7[%get3A_42, %get3A_43] {strides = array<i32>} : memref<80x128xi32, #tpu.memory_space<vmem>>, vector<16xi32>,
      %gather3A_45 = tpu.vector_load_idx %arg8[%get3A_41] : memref<10240xf32, #tpu.memory_space<vmem>>[vector<16xi32>], vector<16xf32>,
      tpu.vector_store_idx %arg9[%get3A_44], %gather3A_45 {add = true} : memref<10240xf32, #tpu.memory_space<vmem>>[vector<16xi32>], vector<16xf32>,
      %get3A_46 = arith.index_cast %scan3A_12 : i32 to index
      %get3A_47 = arith.constant 80 : index
      %get3A_48 = tpu.vector_load %arg6[%get3A_46, %get3A_47] {strides = array<i32>} : memref<80x128xi32, #tpu.memory_space<vmem>>, vector<16xi32>,
      %get3A_49 = arith.index_cast %scan3A_12 : i32 to index
      %get3A_50 = arith.constant 80 : index
      %get3A_51 = tpu.vector_load %arg7[%get3A_49, %get3A_50] {strides = array<i32>} : memref<80x128xi32, #tpu.memory_space<vmem>>, vector<16xi32>,
      %gather3A_52 = tpu.vector_load_idx %arg8[%get3A_48] : memref<10240xf32, #tpu.memory_space<vmem>>[vector<16xi32>], vector<16xf32>,
      tpu.vector_store_idx %arg9[%get3A_51], %gather3A_52 {add = true} : memref<10240xf32, #tpu.memory_space<vmem>>[vector<16xi32>], vector<16xf32>,
      %get3A_53 = arith.index_cast %scan3A_12 : i32 to index
      %get3A_54 = arith.constant 96 : index
      %get3A_55 = tpu.vector_load %arg6[%get3A_53, %get3A_54] {strides = array<i32>} : memref<80x128xi32, #tpu.memory_space<vmem>>, vector<16xi32>,
      %get3A_56 = arith.index_cast %scan3A_12 : i32 to index
      %get3A_57 = arith.constant 96 : index
      %get3A_58 = tpu.vector_load %arg7[%get3A_56, %get3A_57] {strides = array<i32>} : memref<80x128xi32, #tpu.memory_space<vmem>>, vector<16xi32>,
      %gather3A_59 = tpu.vector_load_idx %arg8[%get3A_55] : memref<10240xf32, #tpu.memory_space<vmem>>[vector<16xi32>], vector<16xf32>,
      tpu.vector_store_idx %arg9[%get3A_58], %gather3A_59 {add = true} : memref<10240xf32, #tpu.memory_space<vmem>>[vector<16xi32>], vector<16xf32>,
      %get3A_60 = arith.index_cast %scan3A_12 : i32 to index
      %get3A_61 = arith.constant 112 : index
      %get3A_62 = tpu.vector_load %arg6[%get3A_60, %get3A_61] {strides = array<i32>} : memref<80x128xi32, #tpu.memory_space<vmem>>, vector<16xi32>,
      %get3A_63 = arith.index_cast %scan3A_12 : i32 to index
      %get3A_64 = arith.constant 112 : index
      %get3A_65 = tpu.vector_load %arg7[%get3A_63, %get3A_64] {strides = array<i32>} : memref<80x128xi32, #tpu.memory_space<vmem>>, vector<16xi32>,
      %gather3A_66 = tpu.vector_load_idx %arg8[%get3A_62] : memref<10240xf32, #tpu.memory_space<vmem>>[vector<16xi32>], vector<16xf32>,
      tpu.vector_store_idx %arg9[%get3A_65], %gather3A_66 {add = true} : memref<10240xf32, #tpu.memory_space<vmem>>[vector<16xi32>], vector<16xf32>,
    }
    %scan3A_11 = arith.constant 80 : i32
    "tpu.region"() ({
      %run_scoped3A = tpu.sem_alloc : memref<!tpu.dma_semaphore, #tpu.memory_space<semaphore_mem>>
      %dma_start3A = arith.constant 0 : i32
      %dma_start3A_12 = tpu.memref_slice %arg5[%add3A, %dma_start3A] : memref<32x10240xf32, #tpu.memory_space<hbm>> -> memref<1x10240xf32, #tpu.memory_space<hbm>>
      %dma_start3A_13 = tpu.memref_squeeze %dma_start3A_12 : memref<1x10240xf32, #tpu.memory_space<hbm>> -> memref<10240xf32, #tpu.memory_space<hbm>>
      %dma_start3A_14 = arith.constant 0 : i32
      %dma_start3A_15 = tpu.memref_slice %arg5[%add3A, %dma_start3A_14] : memref<32x10240xf32, #tpu.memory_space<hbm>> -> memref<1x10240xf32, #tpu.memory_space<hbm>>
      %dma_start3A_16 = tpu.memref_squeeze %dma_start3A_15 : memref<1x10240xf32, #tpu.memory_space<hbm>> -> memref<10240xf32, #tpu.memory_space<hbm>>
      tpu.enqueue_dma source(%arg9 : memref<10240xf32, #tpu.memory_space<vmem>>) target(%dma_start3A_16 : memref<10240xf32, #tpu.memory_space<hbm>>) target_semaphore(%run_scoped3A : memref<!tpu.dma_semaphore, #tpu.memory_space<semaphore_mem>>)
      %dma_wait3A = arith.constant 0 : i32
      %dma_wait3A_17 = tpu.memref_slice %arg5[%add3A, %dma_wait3A] : memref<32x10240xf32, #tpu.memory_space<hbm>> -> memref<1x10240xf32, #tpu.memory_space<hbm>>
      %dma_wait3A_18 = tpu.memref_squeeze %dma_wait3A_17 : memref<1x10240xf32, #tpu.memory_space<hbm>> -> memref<10240xf32, #tpu.memory_space<hbm>>
      %dma_wait3A_19 = arith.constant 0 : i32
      %dma_wait3A_20 = tpu.memref_slice %arg5[%add3A, %dma_wait3A_19] : memref<32x10240xf32, #tpu.memory_space<hbm>> -> memref<1x10240xf32, #tpu.memory_space<hbm>>
      %dma_wait3A_21 = tpu.memref_squeeze %dma_wait3A_20 : memref<1x10240xf32, #tpu.memory_space<hbm>> -> memref<10240xf32, #tpu.memory_space<hbm>>
      tpu.wait_dma2 semaphore(%run_scoped3A : memref<!tpu.dma_semaphore, #tpu.memory_space<semaphore_mem>>) src(%arg9 : memref<10240xf32, #tpu.memory_space<vmem>>) dst(%dma_wait3A_21 : memref<10240xf32, #tpu.memory_space<hbm>>)
      tpu.yield
    }) : () -> ()
    return
  }
}

module attributes {stable_mosaic.version = 14 : i64} {
  func.func @_tc1_body(%arg0: memref<10240x128xf32, #tpu.memory_space<vmem>>, %arg1: memref<32x128xf32, #tpu.memory_space<vmem>>, %arg2: memref<32x80x128xf32, #tpu.memory_space<vmem>>, %arg3: memref<80x128xf32, #tpu.memory_space<vmem>>, %arg4: memref<80x128x32xf32, #tpu.memory_space<vmem>>) attributes {dimension_semantics = [], scalar_prefetch = 0 : i64, scratch_operands = 0 : i64, tpu.core_type = #tpu.core_type<tc>} {
    %get3A = arith.constant 0 : index
    %get3A_0 = arith.constant 0 : index
    %get3A_1 = arith.constant 0 : index
    %get3A_2 = vector.load %arg2[%get3A, %get3A_0, %get3A_1] : memref<32x80x128xf32, #tpu.memory_space<vmem>>, vector<32x80x128xf32>
    %reduce_sum3A = arith.constant dense<0.000000e+00> : vector<80x128xf32>
    %reduce_sum3A_3 = vector.multi_reduction <add>, %get3A_2, %reduce_sum3A [0] : vector<32x80x128xf32> to vector<80x128xf32>
    %add3A = arith.constant 1.000000e+00 : f32
    %add3A_4 = vector.broadcast %add3A : f32 to vector<80x128xf32>
    %add3A_5 = arith.addf %add3A_4, %reduce_sum3A_3 : vector<80x128xf32>
    %iota3A = tpu.iota {dimensions = array<i32: 0>} : vector<80x128xi32>
    %mul3A = arith.constant 128 : i32
    %mul3A_6 = vector.broadcast %mul3A : i32 to vector<80x128xi32>
    %mul3A_7 = arith.muli %iota3A, %mul3A_6 : vector<80x128xi32>
    %iota3A_8 = tpu.iota {dimensions = array<i32: 1>} : vector<80x128xi32>
    %add3A_9 = arith.addi %mul3A_7, %iota3A_8 : vector<80x128xi32>
    %rsqrt3A = math.rsqrt %add3A_5 : vector<80x128xf32>
    %mul3A_10 = arith.constant 5.000000e-01 : f32
    %mul3A_11 = vector.broadcast %mul3A_10 : f32 to vector<80x128xf32>
    %mul3A_12 = arith.mulf %mul3A_11, %add3A_5 : vector<80x128xf32>
    %mul3A_13 = arith.mulf %mul3A_12, %rsqrt3A : vector<80x128xf32>
    %mul3A_14 = arith.mulf %mul3A_13, %rsqrt3A : vector<80x128xf32>
    %sub3A = arith.constant 1.500000e+00 : f32
    %sub3A_15 = vector.broadcast %sub3A : f32 to vector<80x128xf32>
    %sub3A_16 = arith.subf %sub3A_15, %mul3A_14 : vector<80x128xf32>
    %mul3A_17 = arith.mulf %rsqrt3A, %sub3A_16 : vector<80x128xf32>
    %mul3A_18 = arith.constant 5.000000e-01 : f32
    %mul3A_19 = vector.broadcast %mul3A_18 : f32 to vector<80x128xf32>
    %mul3A_20 = arith.mulf %mul3A_19, %add3A_5 : vector<80x128xf32>
    %mul3A_21 = arith.mulf %mul3A_20, %mul3A_17 : vector<80x128xf32>
    %mul3A_22 = arith.mulf %mul3A_21, %mul3A_17 : vector<80x128xf32>
    %sub3A_23 = arith.constant 1.500000e+00 : f32
    %sub3A_24 = vector.broadcast %sub3A_23 : f32 to vector<80x128xf32>
    %sub3A_25 = arith.subf %sub3A_24, %mul3A_22 : vector<80x128xf32>
    %mul3A_26 = arith.mulf %mul3A_17, %sub3A_25 : vector<80x128xf32>
    %lt3A = arith.constant 10000 : i32
    %lt3A_27 = vector.broadcast %lt3A : i32 to vector<80x128xi32>
    %lt3A_28 = arith.cmpi slt, %add3A_9, %lt3A_27 : vector<80x128xi32>
    %jit3A = arith.constant 0.000000e+00 : f32
    %broadcast_in_dim3A = vector.broadcast %jit3A : f32 to vector<80x128xf32>
    %select_n3A = arith.select %lt3A_28, %mul3A_26, %broadcast_in_dim3A : vector<80x128xi1>, vector<80x128xf32>
    %swap3A = arith.constant 0 : index
    %swap3A_29 = arith.constant 0 : index
    %swap3A_30 = vector.load %arg3[%swap3A, %swap3A_29] : memref<80x128xf32, #tpu.memory_space<vmem>>, vector<80x128xf32>
    tpu.vector_store %arg3[%swap3A, %swap3A_29], %select_n3A {strides = array<i32>} : memref<80x128xf32, #tpu.memory_space<vmem>>, vector<80x128xf32>,
    %get3A_31 = arith.constant 0 : index
    %get3A_32 = arith.constant 0 : index
    %get3A_33 = vector.load %arg0[%get3A_31, %get3A_32] : memref<10240x128xf32, #tpu.memory_space<vmem>>, vector<10240x128xf32>
    %convert_element_type3A = arith.truncf %get3A_33 : vector<10240x128xf32> to vector<10240x128xbf16>
    %get3A_34 = arith.constant 0 : index
    %get3A_35 = arith.constant 0 : index
    %get3A_36 = vector.load %arg1[%get3A_34, %get3A_35] : memref<32x128xf32, #tpu.memory_space<vmem>>, vector<32x128xf32>
    %convert_element_type3A_37 = arith.truncf %get3A_36 : vector<32x128xf32> to vector<32x128xbf16>
    %dot_general3A = arith.constant dense<0.000000e+00> : vector<10240x32xf32>
    %dot_general3A_38 = tpu.matmul %convert_element_type3A, %convert_element_type3A_37, %dot_general3A {dimension_numbers = #tpu.dot_dimension_numbers<[1], [1], [0], [0], [0, 0, 1, 0], [], []>, transpose_lhs_hint = false} : vector<10240x128xbf16>, vector<32x128xbf16>, vector<10240x32xf32> -> vector<10240x32xf32>
    %reshape3A = vector.shape_cast %dot_general3A_38 : vector<10240x32xf32> to vector<80x128x32xf32>
    %broadcast_in_dim3A_39 = vector.shape_cast %select_n3A : vector<80x128xf32> to vector<80x128x1xf32>
    %mul3A_40 = vector.broadcast %broadcast_in_dim3A_39 : vector<80x128x1xf32> to vector<80x128x32xf32>
    %mul3A_41 = arith.mulf %reshape3A, %mul3A_40 : vector<80x128x32xf32>
    %swap3A_42 = arith.constant 0 : index
    %swap3A_43 = arith.constant 0 : index
    %swap3A_44 = arith.constant 0 : index
    %swap3A_45 = vector.load %arg4[%swap3A_42, %swap3A_43, %swap3A_44] : memref<80x128x32xf32, #tpu.memory_space<vmem>>, vector<80x128x32xf32>
    tpu.vector_store %arg4[%swap3A_42, %swap3A_43, %swap3A_44], %mul3A_41 {strides = array<i32>} : memref<80x128x32xf32, #tpu.memory_space<vmem>>, vector<80x128x32xf32>,
    return
  }
}

module attributes {stable_mosaic.version = 14 : i64} {
  func.func @_tc2_body(%arg0: memref<2x80x128x32xf32, #tpu.memory_space<vmem>>, %arg1: memref<80x128x32xf32, #tpu.memory_space<vmem>>, %arg2: memref<80x128xf32, #tpu.memory_space<vmem>>, %arg3: memref<1x1x32xf32, #tpu.memory_space<vmem>>, %arg4: memref<1x1x32xf32, #tpu.memory_space<vmem>>, %arg5: memref<80x128xf32, #tpu.memory_space<vmem>>) attributes {dimension_semantics = [], scalar_prefetch = 0 : i64, scratch_operands = 0 : i64, tpu.core_type = #tpu.core_type<tc>} {
    %get3A = arith.constant 0 : index
    %get3A_0 = arith.constant 0 : index
    %get3A_1 = arith.constant 0 : index
    %get3A_2 = arith.constant 0 : index
    %get3A_3 = vector.load %arg0[%get3A, %get3A_0, %get3A_1, %get3A_2] : memref<2x80x128x32xf32, #tpu.memory_space<vmem>>, vector<1x80x128x32xf32>
    %get3A_4 = vector.shape_cast %get3A_3 : vector<1x80x128x32xf32> to vector<80x128x32xf32>
    %get3A_5 = arith.constant 1 : index
    %get3A_6 = arith.constant 0 : index
    %get3A_7 = arith.constant 0 : index
    %get3A_8 = arith.constant 0 : index
    %get3A_9 = vector.load %arg0[%get3A_5, %get3A_6, %get3A_7, %get3A_8] : memref<2x80x128x32xf32, #tpu.memory_space<vmem>>, vector<1x80x128x32xf32>
    %get3A_10 = vector.shape_cast %get3A_9 : vector<1x80x128x32xf32> to vector<80x128x32xf32>
    %add3A = arith.addf %get3A_4, %get3A_10 : vector<80x128x32xf32>
    %get3A_11 = arith.constant 0 : index
    %get3A_12 = arith.constant 0 : index
    %get3A_13 = arith.constant 0 : index
    %get3A_14 = vector.load %arg1[%get3A_11, %get3A_12, %get3A_13] : memref<80x128x32xf32, #tpu.memory_space<vmem>>, vector<80x128x32xf32>
    %add3A_15 = arith.addf %add3A, %get3A_14 : vector<80x128x32xf32>
    %get3A_16 = arith.constant 0 : index
    %get3A_17 = arith.constant 0 : index
    %get3A_18 = vector.load %arg2[%get3A_16, %get3A_17] : memref<80x128xf32, #tpu.memory_space<vmem>>, vector<80x128xf32>
    %get3A_19 = arith.constant 0 : index
    %get3A_20 = arith.constant 0 : index
    %get3A_21 = arith.constant 0 : index
    %get3A_22 = vector.load %arg3[%get3A_19, %get3A_20, %get3A_21] : memref<1x1x32xf32, #tpu.memory_space<vmem>>, vector<1x1x32xf32>
    %broadcast_in_dim3A = vector.shape_cast %get3A_18 : vector<80x128xf32> to vector<80x128x1xf32>
    %mul3A = vector.broadcast %broadcast_in_dim3A : vector<80x128x1xf32> to vector<80x128x32xf32>
    %mul3A_23 = arith.mulf %mul3A, %add3A_15 : vector<80x128x32xf32>
    %add3A_24 = vector.broadcast %get3A_22 : vector<1x1x32xf32> to vector<80x128x32xf32>
    %add3A_25 = arith.addf %add3A_24, %mul3A_23 : vector<80x128x32xf32>
    %max3A = arith.constant 0.000000e+00 : f32
    %max3A_26 = vector.broadcast %max3A : f32 to vector<80x128x32xf32>
    %max3A_27 = arith.maximumf %add3A_25, %max3A_26 : vector<80x128x32xf32>
    %convert_element_type3A = arith.truncf %max3A_27 : vector<80x128x32xf32> to vector<80x128x32xbf16>
    %convert_element_type3A_28 = arith.extf %convert_element_type3A : vector<80x128x32xbf16> to vector<80x128x32xf32>
    %get3A_29 = arith.constant 0 : index
    %get3A_30 = arith.constant 0 : index
    %get3A_31 = arith.constant 0 : index
    %get3A_32 = vector.load %arg4[%get3A_29, %get3A_30, %get3A_31] : memref<1x1x32xf32, #tpu.memory_space<vmem>>, vector<1x1x32xf32>
    %convert_element_type3A_33 = arith.truncf %get3A_32 : vector<1x1x32xf32> to vector<1x1x32xbf16>
    %convert_element_type3A_34 = arith.extf %convert_element_type3A_33 : vector<1x1x32xbf16> to vector<1x1x32xf32>
    %mul3A_35 = vector.broadcast %convert_element_type3A_34 : vector<1x1x32xf32> to vector<80x128x32xf32>
    %mul3A_36 = arith.mulf %convert_element_type3A_28, %mul3A_35 : vector<80x128x32xf32>
    %reduce_sum3A = arith.constant dense<0.000000e+00> : vector<80x128xf32>
    %reduce_sum3A_37 = vector.multi_reduction <add>, %mul3A_36, %reduce_sum3A [2] : vector<80x128x32xf32> to vector<80x128xf32>
    %mul3A_38 = arith.mulf %reduce_sum3A_37, %get3A_18 : vector<80x128xf32>
    %swap3A = arith.constant 0 : index
    %swap3A_39 = arith.constant 0 : index
    %swap3A_40 = vector.load %arg5[%swap3A, %swap3A_39] : memref<80x128xf32, #tpu.memory_space<vmem>>, vector<80x128xf32>
    tpu.vector_store %arg5[%swap3A, %swap3A_39], %mul3A_38 {strides = array<i32>} : memref<80x128xf32, #tpu.memory_space<vmem>>, vector<80x128xf32>,
    return
  }
}

module attributes {stable_mosaic.version = 14 : i64} {
  func.func @_tc3_body(%arg0: memref<32x80x128xf32, #tpu.memory_space<vmem>>, %arg1: memref<80x128xf32, #tpu.memory_space<vmem>>, %arg2: memref<80x128xf32, #tpu.memory_space<vmem>>, %arg3: memref<1x1xf32, #tpu.memory_space<vmem>>, %arg4: memref<80x128xf32, #tpu.memory_space<vmem>>) attributes {dimension_semantics = [], scalar_prefetch = 0 : i64, scratch_operands = 0 : i64, tpu.core_type = #tpu.core_type<tc>} {
    %get3A = arith.constant 0 : index
    %get3A_0 = arith.constant 0 : index
    %get3A_1 = arith.constant 0 : index
    %get3A_2 = vector.load %arg0[%get3A, %get3A_0, %get3A_1] : memref<32x80x128xf32, #tpu.memory_space<vmem>>, vector<32x80x128xf32>
    %reduce_sum3A = arith.constant dense<0.000000e+00> : vector<80x128xf32>
    %reduce_sum3A_3 = vector.multi_reduction <add>, %get3A_2, %reduce_sum3A [0] : vector<32x80x128xf32> to vector<80x128xf32>
    %get3A_4 = arith.constant 0 : index
    %get3A_5 = arith.constant 0 : index
    %get3A_6 = vector.load %arg3[%get3A_4, %get3A_5] : memref<1x1xf32, #tpu.memory_space<vmem>>, vector<1x1xf32>
    %get3A_7 = arith.constant 0 : index
    %get3A_8 = arith.constant 0 : index
    %get3A_9 = vector.load %arg2[%get3A_7, %get3A_8] : memref<80x128xf32, #tpu.memory_space<vmem>>, vector<80x128xf32>
    %get3A_10 = arith.constant 0 : index
    %get3A_11 = arith.constant 0 : index
    %get3A_12 = vector.load %arg1[%get3A_10, %get3A_11] : memref<80x128xf32, #tpu.memory_space<vmem>>, vector<80x128xf32>
    %add3A = arith.addf %reduce_sum3A_3, %get3A_12 : vector<80x128xf32>
    %mul3A = arith.mulf %get3A_9, %add3A : vector<80x128xf32>
    %add3A_13 = vector.broadcast %get3A_6 : vector<1x1xf32> to vector<80x128xf32>
    %add3A_14 = arith.addf %add3A_13, %mul3A : vector<80x128xf32>
    %swap3A = arith.constant 0 : index
    %swap3A_15 = arith.constant 0 : index
    %swap3A_16 = vector.load %arg4[%swap3A, %swap3A_15] : memref<80x128xf32, #tpu.memory_space<vmem>>, vector<80x128xf32>
    tpu.vector_store %arg4[%swap3A, %swap3A_15], %add3A_14 {strides = array<i32>} : memref<80x128xf32, #tpu.memory_space<vmem>>, vector<80x128xf32>,
    return
  }
}

</mosaic_0001>

<sc_bundles>
// kernel: kernel.11.cloned.1.call-start
scs
__scs_entry_jumppad:
0x0: {  	(pc) =	sbr.rel $0x88, $3  }
0x1: {  	(tag) =	ssettag $0x0;
	lr =	simm.s32 $0x1  }
0x2: {  	[smem:$0x3F9B] =	sst lr;
	_ =	strace $0xD0000000  }
0x3: {  	_ = 	snop  }
0x4: {  	_ = 	snop  }
0x5: {  	_ = 	snop  }
0x6: {  	_ = 	snop  }
0x7: {  	_ = 	snop  }
__scs_overlays_trampoline_lowered:
0x8: {  	[smem:$0x3FAA] =	sst s0  }
0x9: {  	[smem:$0x3FAB] =	sst s1  }
0xa: {  	[smem:$0x3FAC] =	sst s2  }
0xb: {  	[smem:$0x3FAD] =	sst s3  }
0xc: {  	[smem:$0x3FAE] =	sst s4  }
0xd: {  	[smem:$0x3FAF] =	sst s5  }
0xe: {  	[smem:$0x3FB0] =	sst s6  }
0xf: {  	[smem:$0x3FB1] =	sst s7  }
0x10: {  	[smem:$0x3FB2] =	sst s8  }
0x11: {  	[smem:$0x3FB3] =	sst s9;
	s0 =	simm.s32 @!p0 $0x0  }
0x12: {  	s1 =	sld [smem:$0x3F99];
	s0 =	simm.s32 @p0 $0x1  }
0x13: {  	[smem:$0x3FB4] =	sst s0;
	s0 =	simm.s32 @!p1 $0x0  }
0x14: {  	s2 =	sld [smem:$0x3F98];
	s0 =	simm.s32 @p1 $0x1  }
0x15: {  	[smem:$0x3FB5] =	sst s0;
	s0 =	simm.s32 @!p2 $0x0  }
0x16: {  	s3 =	sld [smem:$0x3FDB];
	s0 =	simm.s32 @p2 $0x1  }
0x17: {  	s4 =	simm.s32 $0x1BF5;
	[smem:$0x3FB7] =	sst s0  }
0x18: {  	s0 =	sld [smem:$0x3F9A];
	_ =	swait.ge [sflag:s4], $0x0  }
0x19: {  	s7 =	sld [smem:$0x3F9B]  }
0x1a: {  	s8 =	sadd.s32 $0xFFFFE003, lr  }
0x1b: {  	s9 =	sadd.s32 $0xFFFFFEF7, lr;
	s5 =	simm.s32 $0xFFFFFFFF;
	p2 =	slt.u32 s8, $0xFFFFF086  }
0x1c: {  	p1 =	slt.u32 s9, $0xF7A;
	s5 =	simm.s32 @!p2 $0x0  }
0x1d: {  	s5 =	simm.s32 @p1 $0x1;
	p0 =	seq.s32 s7, s2  }
0x1e: {  	s7 =	smul.u32 @!p0 $0xF7A, s2;
	p2 =	seq.s32 @!p0 s5, $0x0  }
0x1f: {  	s9 =	smul.u32 $0xF7A, s1;
	s8 =	simm.s32 @!p0 $0x1BF5;
	p2 =	por !p2, p0  }
0x20: {  	[sflag:s8] =	ssyncset.s32 @!p0 $0xFFFFF086;
	s6 =	sadd.s32 @!p0 s3, s7;
	s7 =	simm.s32 @!p0 $0x108  }
0x21: {  	s3 =	sadd.s32 s3, s9;
	s6 =	sadd.s32 @!p0 $0x88, s6;
	s7 =	simm.s32 @p2 $0x1082  }
0x22: {  	[simem:s7], [sflag:s8] =	dma.local @!p0 [hbm:s6], $0xF7A  }
0x23: {  	s9 =	sor.u32 $0xD0000000, s2;
	s6 =	simm.s32 $0x108;
	_ =	swait.ge @!p0 [sflag:s8], $0x0  }
0x24: {  	s3 =	sadd.s32 $0x88, s3;
	s6 =	simm.s32 @!p1 $0x1082;
	[sflag:s4] =	ssyncset.s32 $0xFFFFF086  }
0x25: {  	[simem:s6], [sflag:s4] =	dma.local [hbm:s3], $0xF7A  }
0x26: {  	[smem:$0x3F9B] =	sst s1;
	(tag) =	ssettag s2;
	_ =	strace s9  }
0x27: {  	s1 =	sld [smem:$0x3FAB]  }
0x28: {  	s2 =	sld [smem:$0x3FAC]  }
0x29: {  	s4 =	sld [smem:$0x3FAE]  }
0x2a: {  	p0 =	seq.s32 s5, $0x0;
	s5 =	sld [smem:$0x3FAF]  }
0x2b: {  	s6 =	sld [smem:$0x3FB0]  }
0x2c: {  	s7 =	sld [smem:$0x3FB1]  }
0x2d: {  	s3 =	simm.s32 $0x108;
	s8 =	sld [smem:$0x3FB2]  }
0x2e: {  	s3 =	simm.s32 @!p0 $0x1082;
	s9 =	sld [smem:$0x3FB3]  }
0x2f: {  	lr =	sadd.s32 s0, s3;
	s0 =	sld [smem:$0x3FAA]  }
0x30: {  	s3 =	sld [smem:$0x3FAD]  }
0x31: {  	[smem:$0x3FB6] =	sst s10  }
0x32: {  	s10 =	sld [smem:$0x3FB4];
	_ =	sdelay $0x3  }
0x33: {  	p0 =	seq.s32 s10, $0x1;
	s10 =	sld [smem:$0x3FB6];
	_ =	sdelay $0x3  }
0x34: {  	[smem:$0x3FB6] =	sst s10  }
0x35: {  	s10 =	sld [smem:$0x3FB5];
	_ =	sdelay $0x3  }
0x36: {  	p1 =	seq.s32 s10, $0x1;
	s10 =	sld [smem:$0x3FB6];
	_ =	sdelay $0x3  }
0x37: {  	[smem:$0x3FB6] =	sst s10  }
0x38: {  	s10 =	sld [smem:$0x3FB7]  }
0x39: {  	_ = 	snop;
	(pc) =	sbr.ind lr, $3  }
0x3a: {  	_ = 	snop  }
0x3b: {  	_ = 	snop  }
0x3c: {  	p2 =	seq.s32 s10, $0x1;
	s10 =	sld [smem:$0x3FB6]  }
0x3d: {  	_ =	shalt  }
0x3e: {  	_ =	shalt  }
0x3f: {  	_ =	shalt  }
0x40: {  	_ =	shalt  }
0x41: {  	_ =	shalt  }
0x42: {  	_ =	shalt  }
0x43: {  	_ =	shalt  }
0x44: {  	_ =	shalt  }
0x45: {  	_ =	shalt  }
0x46: {  	_ =	shalt  }
0x47: {  	_ =	shalt  }
0x48: {  	_ =	shalt  }
0x49: {  	_ =	shalt  }
0x4a: {  	_ =	shalt  }
0x4b: {  	_ =	shalt  }
0x4c: {  	_ =	shalt  }
0x4d: {  	_ =	shalt  }
0x4e: {  	_ =	shalt  }
0x4f: {  	_ =	shalt  }
0x50: {  	_ =	shalt  }
0x51: {  	_ =	shalt  }
0x52: {  	_ =	shalt  }
0x53: {  	_ =	shalt  }
0x54: {  	_ =	shalt  }
0x55: {  	_ =	shalt  }
0x56: {  	_ =	shalt  }
0x57: {  	_ =	shalt  }
0x58: {  	_ =	shalt  }
0x59: {  	_ =	shalt  }
0x5a: {  	_ =	shalt  }
0x5b: {  	_ =	shalt  }
0x5c: {  	_ =	shalt  }
0x5d: {  	_ =	shalt  }
0x5e: {  	_ =	shalt  }
0x5f: {  	_ =	shalt  }
0x60: {  	_ =	shalt  }
0x61: {  	_ =	shalt  }
0x62: {  	_ =	shalt  }
0x63: {  	_ =	shalt  }
0x64: {  	_ =	shalt  }
0x65: {  	_ =	shalt  }
0x66: {  	_ =	shalt  }
0x67: {  	_ =	shalt  }
0x68: {  	_ =	shalt  }
0x69: {  	_ =	shalt  }
0x6a: {  	_ =	shalt  }
0x6b: {  	_ =	shalt  }
0x6c: {  	_ =	shalt  }
0x6d: {  	_ =	shalt  }
0x6e: {  	_ =	shalt  }
0x6f: {  	_ =	shalt  }
0x70: {  	_ =	shalt  }
0x71: {  	_ =	shalt  }
0x72: {  	_ =	shalt  }
0x73: {  	_ =	shalt  }
0x74: {  	_ =	shalt  }
0x75: {  	_ =	shalt  }
0x76: {  	_ =	shalt  }
0x77: {  	_ =	shalt  }
0x78: {  	_ =	shalt  }
0x79: {  	_ =	shalt  }
0x7a: {  	_ =	shalt  }
0x7b: {  	_ =	shalt  }
0x7c: {  	_ =	shalt  }
0x7d: {  	_ =	shalt  }
0x7e: {  	_ =	shalt  }
0x7f: {  	_ =	shalt  }
0x80: {  	_ =	shalt  }
0x81: {  	_ =	shalt  }
0x82: {  	_ =	shalt  }
0x83: {  	_ =	shalt  }
0x84: {  	_ =	shalt  }
0x85: {  	_ =	shalt  }
0x86: {  	_ =	shalt  }
0x87: {  	_ =	shalt  }
.Lfunc_end0:
.L_simem_size_0:
called_computation.1_lowered:
.L_overlay_start_0:
0x88: {  	s2 =	sld [smem:$0x3FD9]  }
0x89: {  	s3 =	sld [smem:$0x3FFE];
	_ =	sdelay $0x1  }
0x8a: {  	s1 =	srdreg.scid  }
0x8b: {  	s0 =	sand.u32 $0x1, s1  }
0x8c: {  	s16 =	sshll.u32 s0, $0xA;
	s2 =	sadd.s32 s3, s2  }
0x8d: {  	s2 =	sadd.s32 s2, s16  }
0x8e: {  	[smem:$0x3FC2] =	sst s2  }
0x8f: {  	_ = 	snop  }
0x90: {  	(tm) =	ssettm $0x1  }
0x91: {  	s17 =	sld [smem:$0x3FFB];
	_ =	sdelay $0x3  }
0x92: {  	_ =	strace s17  }
0x93: {  	s2 =	sld [smem:$0x3FFC];
	_ =	sdelay $0x3  }
0x94: {  	_ =	strace s2  }
0x95: {  	s2 =	sld [smem:$0x3FFD];
	_ =	sdelay $0x3  }
0x96: {  	_ =	strace s2  }
0x97: {  	_ =	strace $0x8FFFFFFF  }
0x98: {  	s18 =	sld [smem:$0x3FDB];
	_ =	sdelay $0x1  }
0x99: {  	s19 =	simm.s32 $_scs_section_size  }
0x9a: {  	s4 =	simm.s32 $_size__tile_overlayer_lowered;
	s5 =	simm.s32 $_tile_overlayer_lowered  }
0x9b: {  	s22 =	simm.s32 $0x1BFF;
	s21 =	sshll.u32 s5, $0x1;
	s2 =	sadd.s32 s19, s18  }
0x9c: {  	s6 =	simm.s32 $0x0;
	s20 =	sshll.u32 s4, $0x1;
	s4 =	sadd.s32 s21, s2  }
0x9d: {  	[timem:s6], [sflag:s22] =	dma.local [hbm:s4], s20  }
0x9e: {  	_ =	swait.ge [sflag:s22], s20  }
0x9f: {  	s3 =	ssub.s32 $0x0, s20;
	[sflag:s22] =	ssyncset.done $0x0  }
0xa0: {  	[sflag:s22] =	ssyncadd.s32 s3;
	_ =	sdelay $0x1  }
0xa1: {  	s23 =	simm.s32 $0x1B8B  }
0xa2: {  	_ =	swait.ge [sflag:s23], $0x1  }
0xa3: {  	[sflag:s23] =	ssyncset.done $0x0  }
0xa4: {  	s25 =	simm.s32 $0x1B8E;
	s24 =	sld [smem:$0x3FFE];
	[sflag:s23] =	ssyncadd.s32 $0xFFFFFFFF  }
0xa5: {  	s26 =	simm.s32 $execute0_lowered;
	[smem:$0x3FD2] =	sst s25  }
0xa6: {  	s4 =	sshll.u32 s26, $0x1;
	_ =	strace $0x80000049;
	[dreg:$0x1] =	wrdreg $0xFFFFFFFF  }
0xa7: {  	s28 =	simm.s32 $_size_execute0_lowered;
	s2 =	sadd.s32 s2, s4;
	[dreg:$0x0] =	wrdreg $0x0  }
0xa8: {  	s4 =	sshll.u32 s28, $0x1;
	[dreg:$0x2] =	wrdreg s2  }
0xa9: {  	[dreg:$0x3] =	wrdreg s4  }
0xaa: {  	[dreg:$0x4] =	wrdreg $0xC0  }
0xab: {  	_ =	task [dreg:s6], $0x5FFFF  }
0xac: {  	[dreg:$0x1] =	wrdreg $0xFFFFFFFF  }
0xad: {  	[dreg:$0x0] =	wrdreg $0x60  }
0xae: {  	[dreg:$0x2] =	wrdreg s24  }
0xaf: {  	[dreg:$0x3] =	wrdreg $0x170000  }
0xb0: {  	[dreg:$0x4] =	wrdreg $0x120000  }
0xb1: {  	[dreg:$0x5] =	wrdreg $0x9  }
0xb2: {  	_ =	task.clear_ibuf [dreg:s6], $0x6FFFF;
	_ =	strace $0x90000049  }
0xb3: {  	s29 =	simm.s32 $0x9;
	_ =	strace $0x8000004B  }
0xb4: {  	_ =	swait.ge [sflag:s29], $0x1  }
0xb5: {  	[sflag:s29] =	ssyncadd.s32 $0xFFFFFFFF  }
0xb6: {  	_ =	strace $0x9000004B  }
0xb7: {  	_ =	sfence  }
0xb8: {  	s30 =	sld [smem:$0x0];
	_ =	sdelay $0x2  }
0xb9: {  	s31 =	sshll.u32 s1, $0xD;
	s1 =	sshrl.u32 s1, $0x2  }
0xba: {  	s3 =	sand.u32 $0x4000, s31;
	s1 =	sadd.s32 s1, s30  }
0xbb: {  	s0 =	sor.u32 s3, s0;
	s1 =	sshll.u32 s1, $0x11  }
0xbc: {  	s0 =	sor.u32 s1, s0  }
0xbd: {  	s0 =	sadd.s32 $0x8F2B, s0  }
0xbe: {  	[sflag:s0] =	ssyncadd.remote.s32 $0x1  }
0xbf: {  	_ =	sfence.sel $0xFFFF  }
0xc0: {  	[dreg:$0x0] =	wrdreg $0xFFFFFFFF;
	(pc) =	sbr.abs _section_cstart, $3  }
0xc1: {  	[dreg:$0x1] =	wrdreg $0xFFFFFFFF  }
0xc2: {  	_ =	task.clear_ibuf [dreg:s6], $0x2FFFF;
	_ =	strace $0x9FFFFFFF  }
0xc3: {  	(tm) =	ssettm $0x7FFFFFFF  }
tec
execute0_lowered:
.L_overlay_start_1:
0x0: {  	(tag) =	ssettag $0x1  }
0x1: {  	s0 =	rddreg [dreg:$0x0]  }
0x2: {  	s2 =	rddreg [dreg:$0x1]  }
0x3: {  	s3 =	rddreg [dreg:$0x2]  }
0x4: {  	s9 =	stileid.u32;
	s1 =	srdreg.scid  }
0x5: {  	s5 =	simm.s32 $0x0;
	s13 =	simm.s32 $0x11;
	s14 =	simm.s32 $0xD000  }
0x6: {  	s16 =	simm.s32 $0x80;
	s17 =	simm.s32 $0x5000;
	s20 =	simm.s32 $0x7000  }
0x7: {  	s29 =	simm.s32 $0xB000;
	s31 =	simm.s32 $0xC000;
	s15 =	simm.s32 $0xB  }
0x8: {  	s18 =	simm.s32 $0x5;
	s19 =	simm.s32 $0xD;
	s21 =	simm.s32 $0x7  }
0x9: {  	s22 =	simm.s32 $0xF;
	s4 =	smul.u32 $0x5000, s9;
	s1 =	sand.u32 $0x1, s1  }
0xa: {  	[smem:$0x7FF] =	sst s5;
	s23 =	sshll.u32 s9, $0x1;
	s25 =	sshll.u32 s9, $0x6  }
0xb: {  	s6 =	smul.u32 $0x50000, s1;
	_ =	strace $0x8000004A;
	s5 =	sor.u32 s1, s23  }
0xc: {  	s1 =	ssub.s32 $0x2, s1;
	s23 =	simm.s32 $0x8;
	s7 =	sshrl.u32 s4, $0x3  }
0xd: {  	s5 =	smul.u32 $0x500, s5;
	s8 =	sshrl.u32 s1, $0x1;
	s24 =	sadd.s32 s4, s2  }
0xe: {  	s6 =	sadd.s32 s4, s6;
	s7 =	sadd.s32 s7, s0;
	s1 =	ssub.s32 s1, s8  }
0xf: {  	s12 =	sshrl.u32 s24, $0x3;
	s24 =	simm.s32 $0x9000;
	s6 =	sshrl.u32 s6, $0x3  }
0x10: {  	s5 =	sadd.s32 s5, s0;
	s7 =	sadd.s32 $0xC600, s7;
	s30 =	smax.u32 s1, $0x1  }
0x11: {  	s1 =	simm.s32 $0x9;
	s0 =	sadd.s32 s6, s0;
	[dreg:$0x4] =	wrdreg s7  }
.Ltmp0:
0x12: {  	s7 =	sor.u32 $0x1C11, s25;
	[dreg:$0x9] =	wrdreg s30;
	(pc) =	sbr.rel .LBB2_1-.Ltmp0, $4  }
0x13: {  	s26 =	sadd.s32 $0x16600, s5;
	s28 =	sadd.s32 $0x2600, s5;
	[dreg:$0x5] =	wrdreg s7  }
0x14: {  	s25 =	simm.s32 $0x10;
	s7 =	sadd.s32 s4, s3;
	[dreg:$0x6] =	wrdreg s26  }
0x15: {  	[dreg:$0x7] =	wrdreg s28;
	s0 =	sadd.s32 $0x20600, s0;
	s4 =	simm.s32 $0x3  }
0x16: {  	v0 =	vimm.f32 $0.0e+00;
	s26 =	simm.s32 $0x0;
	[dreg:$0x8] =	wrdreg s0;
	s0 =	simm.s32 $0x1  }
.LBB2_6:
0x17: {  	_ =	swait.ge [sflag:s23], $0x1000  }
0x18: {  	[sflag:s23] =	ssyncset.done $0x0  }
0x19: {  	[sflag:s23] =	ssyncadd.s32 $0xFFFFF000  }
0x1a: {  	[spmem:s3] =	stream.indirect.scatter.add.f32 [tilespmem:s31], [sflag:$0x10], $0x20, s5, s16, $0xb8;
	[tilespmem:$0x1C000] =	vst v63  }
0x1b: {  	_ =	swait.ge [sflag:s25], $0x1000  }
0x1c: {  	[sflag:s25] =	ssyncset.done $0x0  }
0x1d: {  	[sflag:s25] =	ssyncadd.s32 $0xFFFFF000  }
0x1e: {  	[bflag:$0x0] =	sbarrier.arrive $0xFFFF  }
0x1f: {  	[tilespmem:s14], [sflag:$0x11] =	stream.linear.gather [spmem:s7], $0x5000, $0x38;
	[tilespmem:$0x1C000] =	vst v63  }
0x20: {  	_ =	swait.ge [sflag:s13], $0x5000  }
0x21: {  	[sflag:s13] =	ssyncset.done $0x0  }
0x22: {  	s28 =	simm.s32 $0x0;
	s6 =	rddreg [dreg:$0x8];
	[sflag:s13] =	ssyncadd.s32 $0xFFFFB000  }
0x23: {  	[hbm4b:s6+s28] =	stream.linear.scatter [tilespmem:s14], [sflag:$0x11], $0x5000, $0x38;
	[tilespmem:$0x1C000] =	vst v63  }
0x24: {  	_ =	swait.ge [sflag:s13], $0x5000  }
0x25: {  	s26 =	sadd.s32 $0x1, s26;
	s30 =	rddreg [dreg:$0x9]  }
0x26: {  	p0 =	sne.s32 s26, s30  }
.Ltmp1:
0x27: {  	_ = 	snop;
	(pc) =	sbr.rel @!p0 .LBB2_7-.Ltmp1, $3  }
0x28: {  	_ =	sdelay $0x1  }
0x29: {  	[sflag:s13] =	ssyncset.done $0x0  }
0x2a: {  	[sflag:s13] =	ssyncadd.s32 $0xFFFFB000  }
.LBB2_1:
0x2b: {  	s5 =	rddreg [dreg:$0x4]  }
0x2c: {  	s6 =	rddreg [dreg:$0x5]  }
0x2d: {  	[spmem:s12], [sflag:s6] =	dma.local [hbm:s5], $0xA00  }
0x2e: {  	_ =	swait.ge [sflag:s13], $0xA00  }
0x2f: {  	[sflag:s13] =	ssyncset.done $0x0  }
0x30: {  	s5 =	simm.s32 $0x80;
	s6 =	simm.s32 $0x0;
	[sflag:s13] =	ssyncadd.s32 $0xFFFFF600  }
.LBB2_2:
0x31: {  	p0 =	sne.s32 s5, $0x13F80;
	[tilespmem:s6+$0xD000] =	vst v0;
	s8 =	smov.u32 s5;
	s5 =	sadd.s32 $0x80, s5  }
.Ltmp2:
0x32: {  	[tilespmem:s6+$0xD010] =	vst v0;
	(pc) =	sbr.rel @p0 .LBB2_2-.Ltmp2, $2  }
0x33: {  	_ =	sdelay $0x2  }
0x34: {  	s6 =	sshra.s32 s8, $0x2  }
0x35: {  	[tilespmem:s6+$0xD000] =	vst v0  }
0x36: {  	[tilespmem:s6+$0xD010] =	vst v0  }
0x37: {  	[spmem:s7] =	stream.linear.scatter [tilespmem:s14], [sflag:$0x11], $0x5000, $0x38;
	[tilespmem:$0x1C000] =	vst v63  }
0x38: {  	_ =	swait.ge [sflag:s13], $0x5000  }
0x39: {  	[sflag:s13] =	ssyncset.done $0x0  }
0x3a: {  	s28 =	simm.s32 $0x0;
	s5 =	rddreg [dreg:$0x6];
	[sflag:s13] =	ssyncadd.s32 $0xFFFFB000  }
0x3b: {  	[tilespmem:s28], [sflag:$0x11] =	stream.linear.gather [hbm4b:s5+s28], $0x2800, $0x38;
	[tilespmem:$0x1C000] =	vst v63  }
0x3c: {  	_ =	swait.ge [sflag:s13], $0x2800  }
0x3d: {  	[sflag:s13] =	ssyncset.done $0x0  }
0x3e: {  	s8 =	simm.s32 $0x2800;
	s6 =	rddreg [dreg:$0x7];
	[sflag:s13] =	ssyncadd.s32 $0xFFFFD800  }
0x3f: {  	[tilespmem:s8], [sflag:$0x11] =	stream.linear.gather [hbm4b:s6+s28], $0x2800, $0x38;
	[tilespmem:$0x1C000] =	vst v63  }
0x40: {  	_ =	swait.ge [sflag:s13], $0x2800  }
0x41: {  	[sflag:s13] =	ssyncset.done $0x0  }
0x42: {  	[sflag:s13] =	ssyncadd.s32 $0xFFFFD800  }
0x43: {  	[bflag:$0x0] =	sbarrier.arrive $0xFFFF  }
0x44: {  	[tilespmem:s17], [sflag:$0x1] =	stream.indirect.gather [spmem:s2], $0x20, s28, s16, $0xb8;
	[tilespmem:$0x1C000] =	vst v63  }
0x45: {  	s9 =	simm.s32 $0x6000  }
0x46: {  	[tilespmem:s9], [sflag:$0x2] =	stream.indirect.gather [spmem:s2], $0x20, s16, s16, $0xb8;
	[tilespmem:$0x1C000] =	vst v63  }
0x47: {  	s10 =	simm.s32 $0x100  }
0x48: {  	[tilespmem:s20], [sflag:$0x3] =	stream.indirect.gather [spmem:s2], $0x20, s10, s16, $0xb8;
	[tilespmem:$0x1C000] =	vst v63  }
0x49: {  	s11 =	simm.s32 $0x180;
	s30 =	simm.s32 $0x8000  }
0x4a: {  	[tilespmem:s30], [sflag:$0x4] =	stream.indirect.gather [spmem:s2], $0x20, s11, s16, $0xb8;
	[tilespmem:$0x1C000] =	vst v63  }
0x4b: {  	s8 =	simm.s32 $0x200  }
0x4c: {  	[tilespmem:s24], [sflag:$0x5] =	stream.indirect.gather [spmem:s2], $0x20, s8, s16, $0xb8;
	[tilespmem:$0x1C000] =	vst v63  }
0x4d: {  	s9 =	simm.s32 $0x280;
	s10 =	simm.s32 $0xA000  }
0x4e: {  	[tilespmem:s10], [sflag:$0x6] =	stream.indirect.gather [spmem:s2], $0x20, s9, s16, $0xb8;
	[tilespmem:$0x1C000] =	vst v63  }
0x4f: {  	s11 =	simm.s32 $0x300  }
0x50: {  	[tilespmem:s29], [sflag:$0x7] =	stream.indirect.gather [spmem:s2], $0x20, s11, s16, $0xb8;
	[tilespmem:$0x1C000] =	vst v63  }
0x51: {  	s30 =	simm.s32 $0x380  }
0x52: {  	[tilespmem:s31], [sflag:$0x8] =	stream.indirect.gather [spmem:s2], $0x20, s30, s16, $0xb8;
	[tilespmem:$0x1C000] =	vst v63  }
.LBB2_4:
0x53: {  	_ =	swait.ge [sflag:s0], $0x1000  }
0x54: {  	s30 =	sshra.s32 s28, $0x2;
	[sflag:s0] =	ssyncset.done $0x0  }
0x55: {  	s5 =	sadd.s32 $0x2800, s30;
	[sflag:s0] =	ssyncadd.s32 $0xFFFFF000  }
0x56: {  	[spmem:s3] =	stream.indirect.scatter.add.f32 [tilespmem:s17], [sflag:$0x9], $0x20, s5, s16, $0xb8;
	[tilespmem:$0x1C000] =	vst v63  }
0x57: {  	_ =	swait.ge [sflag:s1], $0x1000  }
0x58: {  	p0 =	seq.s32 s28, $0x9000;
	[sflag:s1] =	ssyncset.done $0x0  }
0x59: {  	s5 =	simm.s32 @p0 $0x2;
	[sflag:s1] =	ssyncadd.s32 $0xFFFFF000  }
0x5a: {  	_ =	swait.ge @p0 [sflag:s5], $0x1000  }
0x5b: {  	s8 =	sshra.s32 @p0 s28, $0x2;
	s9 =	simm.s32 @p0 $0x80;
	[sflag:s5] =	ssyncset.done @p0 $0x0  }
0x5c: {  	s6 =	simm.s32 @p0 $0x6000;
	[sflag:s5] =	ssyncadd.s32 @p0 $0xFFFFF000;
	s5 =	sadd.s32 @p0 $0x2880, s8  }
0x5d: {  	[spmem:s3] =	stream.indirect.scatter.add.f32 @p0 [tilespmem:s6], [sflag:$0xA], $0x20, s5, s9, $0xb8;
	[tilespmem:$0x1C000] =	vst v63  }
0x5e: {  	s5 =	simm.s32 @p0 $0xA  }
0x5f: {  	_ =	swait.ge @p0 [sflag:s5], $0x1000  }
0x60: {  	[sflag:s5] =	ssyncset.done @p0 $0x0  }
0x61: {  	[sflag:s5] =	ssyncadd.s32 @p0 $0xFFFFF000;
	s5 =	sshra.s32 @!p0 s28, $0x2  }
0x62: {  	s11 =	simm.s32 @!p0 $0x5000;
	s6 =	simm.s32 @!p0 $0x80;
	s10 =	sadd.s32 @!p0 $0x400, s5  }
0x63: {  	[tilespmem:s11], [sflag:$0x1] =	stream.indirect.gather @!p0 [spmem:s2], $0x20, s10, s6, $0xb8;
	[tilespmem:$0x1C000] =	vst v63  }
0x64: {  	s10 =	simm.s32 @!p0 $0x2  }
0x65: {  	_ =	swait.ge @!p0 [sflag:s10], $0x1000  }
0x66: {  	[sflag:s10] =	ssyncset.done @!p0 $0x0  }
0x67: {  	s11 =	simm.s32 @!p0 $0x6000;
	[sflag:s10] =	ssyncadd.s32 @!p0 $0xFFFFF000;
	s10 =	sadd.s32 @!p0 $0x2880, s5  }
0x68: {  	[spmem:s3] =	stream.indirect.scatter.add.f32 @!p0 [tilespmem:s11], [sflag:$0xA], $0x20, s10, s6, $0xb8;
	[tilespmem:$0x1C000] =	vst v63  }
0x69: {  	s10 =	simm.s32 @!p0 $0xA  }
0x6a: {  	_ =	swait.ge @!p0 [sflag:s10], $0x1000  }
0x6b: {  	[sflag:s10] =	ssyncset.done @!p0 $0x0  }
0x6c: {  	[sflag:s10] =	ssyncadd.s32 @!p0 $0xFFFFF000;
	s10 =	sadd.s32 @!p0 $0x480, s5  }
0x6d: {  	[tilespmem:s11], [sflag:$0x2] =	stream.indirect.gather @!p0 [spmem:s2], $0x20, s10, s6, $0xb8;
	[tilespmem:$0x1C000] =	vst v63  }
0x6e: {  	_ =	swait.ge [sflag:s4], $0x1000  }
0x6f: {  	[sflag:s4] =	ssyncset.done $0x0  }
0x70: {  	s11 =	sadd.s32 $0x2900, s30;
	[sflag:s4] =	ssyncadd.s32 $0xFFFFF000  }
0x71: {  	[spmem:s3] =	stream.indirect.scatter.add.f32 [tilespmem:s20], [sflag:$0xB], $0x20, s11, s16, $0xb8;
	[tilespmem:$0x1C000] =	vst v63  }
0x72: {  	_ =	swait.ge [sflag:s15], $0x1000  }
0x73: {  	[sflag:s15] =	ssyncset.done $0x0  }
0x74: {  	s10 =	simm.s32 @p0 $0x4;
	[sflag:s15] =	ssyncadd.s32 $0xFFFFF000  }
0x75: {  	_ =	swait.ge @p0 [sflag:s10], $0x1000  }
0x76: {  	[sflag:s10] =	ssyncset.done @p0 $0x0  }
0x77: {  	s11 =	simm.s32 @p0 $0x8000;
	[sflag:s10] =	ssyncadd.s32 @p0 $0xFFFFF000;
	s10 =	sadd.s32 @p0 $0x2980, s8  }
0x78: {  	[spmem:s3] =	stream.indirect.scatter.add.f32 @p0 [tilespmem:s11], [sflag:$0xC], $0x20, s10, s9, $0xb8;
	[tilespmem:$0x1C000] =	vst v63  }
0x79: {  	s10 =	simm.s32 @p0 $0xC  }
0x7a: {  	_ =	swait.ge @p0 [sflag:s10], $0x1000  }
0x7b: {  	[sflag:s10] =	ssyncset.done @p0 $0x0  }
0x7c: {  	s11 =	simm.s32 @!p0 $0x7000;
	[sflag:s10] =	ssyncadd.s32 @p0 $0xFFFFF000;
	s10 =	sadd.s32 @!p0 $0x500, s5  }
0x7d: {  	[tilespmem:s11], [sflag:$0x3] =	stream.indirect.gather @!p0 [spmem:s2], $0x20, s10, s6, $0xb8;
	[tilespmem:$0x1C000] =	vst v63  }
0x7e: {  	s10 =	simm.s32 @!p0 $0x4  }
0x7f: {  	_ =	swait.ge @!p0 [sflag:s10], $0x1000  }
0x80: {  	[sflag:s10] =	ssyncset.done @!p0 $0x0  }
0x81: {  	s11 =	simm.s32 @!p0 $0x8000;
	[sflag:s10] =	ssyncadd.s32 @!p0 $0xFFFFF000;
	s10 =	sadd.s32 @!p0 $0x2980, s5  }
0x82: {  	[spmem:s3] =	stream.indirect.scatter.add.f32 @!p0 [tilespmem:s11], [sflag:$0xC], $0x20, s10, s6, $0xb8;
	[tilespmem:$0x1C000] =	vst v63  }
0x83: {  	s10 =	simm.s32 @!p0 $0xC  }
0x84: {  	_ =	swait.ge @!p0 [sflag:s10], $0x1000  }
0x85: {  	[sflag:s10] =	ssyncset.done @!p0 $0x0  }
0x86: {  	[sflag:s10] =	ssyncadd.s32 @!p0 $0xFFFFF000;
	s10 =	sadd.s32 @!p0 $0x580, s5  }
0x87: {  	[tilespmem:s11], [sflag:$0x4] =	stream.indirect.gather @!p0 [spmem:s2], $0x20, s10, s6, $0xb8;
	[tilespmem:$0x1C000] =	vst v63  }
0x88: {  	_ =	swait.ge [sflag:s18], $0x1000  }
0x89: {  	[sflag:s18] =	ssyncset.done $0x0  }
0x8a: {  	s11 =	sadd.s32 $0x2A00, s30;
	[sflag:s18] =	ssyncadd.s32 $0xFFFFF000  }
0x8b: {  	[spmem:s3] =	stream.indirect.scatter.add.f32 [tilespmem:s24], [sflag:$0xD], $0x20, s11, s16, $0xb8;
	[tilespmem:$0x1C000] =	vst v63  }
0x8c: {  	_ =	swait.ge [sflag:s19], $0x1000  }
0x8d: {  	[sflag:s19] =	ssyncset.done $0x0  }
0x8e: {  	s10 =	simm.s32 @p0 $0x6;
	[sflag:s19] =	ssyncadd.s32 $0xFFFFF000  }
0x8f: {  	_ =	swait.ge @p0 [sflag:s10], $0x1000  }
0x90: {  	[sflag:s10] =	ssyncset.done @p0 $0x0  }
0x91: {  	s8 =	sadd.s32 @p0 $0x2A80, s8;
	[sflag:s10] =	ssyncadd.s32 @p0 $0xFFFFF000;
	s10 =	simm.s32 @p0 $0xA000  }
0x92: {  	[spmem:s3] =	stream.indirect.scatter.add.f32 @p0 [tilespmem:s10], [sflag:$0xE], $0x20, s8, s9, $0xb8;
	[tilespmem:$0x1C000] =	vst v63  }
0x93: {  	s8 =	simm.s32 @p0 $0xE  }
0x94: {  	_ =	swait.ge @p0 [sflag:s8], $0x1000  }
0x95: {  	[sflag:s8] =	ssyncset.done @p0 $0x0  }
0x96: {  	s9 =	simm.s32 @!p0 $0x9000;
	[sflag:s8] =	ssyncadd.s32 @p0 $0xFFFFF000;
	s8 =	sadd.s32 @!p0 $0x600, s5  }
0x97: {  	[tilespmem:s9], [sflag:$0x5] =	stream.indirect.gather @!p0 [spmem:s2], $0x20, s8, s6, $0xb8;
	[tilespmem:$0x1C000] =	vst v63  }
0x98: {  	s8 =	simm.s32 @!p0 $0x6  }
0x99: {  	_ =	swait.ge @!p0 [sflag:s8], $0x1000  }
0x9a: {  	[sflag:s8] =	ssyncset.done @!p0 $0x0  }
0x9b: {  	s9 =	simm.s32 @!p0 $0xA000;
	[sflag:s8] =	ssyncadd.s32 @!p0 $0xFFFFF000;
	s8 =	sadd.s32 @!p0 $0x2A80, s5  }
0x9c: {  	[spmem:s3] =	stream.indirect.scatter.add.f32 @!p0 [tilespmem:s9], [sflag:$0xE], $0x20, s8, s6, $0xb8;
	[tilespmem:$0x1C000] =	vst v63  }
0x9d: {  	s8 =	simm.s32 @!p0 $0xE  }
0x9e: {  	_ =	swait.ge @!p0 [sflag:s8], $0x1000  }
0x9f: {  	[sflag:s8] =	ssyncset.done @!p0 $0x0  }
0xa0: {  	s5 =	sadd.s32 @!p0 $0x680, s5;
	[sflag:s8] =	ssyncadd.s32 @!p0 $0xFFFFF000  }
0xa1: {  	[tilespmem:s9], [sflag:$0x6] =	stream.indirect.gather @!p0 [spmem:s2], $0x20, s5, s6, $0xb8;
	[tilespmem:$0x1C000] =	vst v63  }
0xa2: {  	_ =	swait.ge [sflag:s21], $0x1000  }
0xa3: {  	[sflag:s21] =	ssyncset.done $0x0  }
.Ltmp3:
0xa4: {  	s11 =	sadd.s32 $0x2B00, s30;
	[sflag:s21] =	ssyncadd.s32 $0xFFFFF000;
	(pc) =	sbr.rel @p0 .LBB2_6-.Ltmp3, $4  }
0xa5: {  	[spmem:s3] =	stream.indirect.scatter.add.f32 [tilespmem:s29], [sflag:$0xF], $0x20, s11, s16, $0xb8;
	[tilespmem:$0x1C000] =	vst v63  }
0xa6: {  	_ =	swait.ge [sflag:s22], $0x1000  }
0xa7: {  	[sflag:s22] =	ssyncset.done $0x0  }
0xa8: {  	s5 =	sadd.s32 $0x2B80, s30;
	[sflag:s22] =	ssyncadd.s32 $0xFFFFF000  }
0xa9: {  	s6 =	sadd.s32 $0x700, s30  }
0xaa: {  	[tilespmem:s29], [sflag:$0x7] =	stream.indirect.gather [spmem:s2], $0x20, s6, s16, $0xb8;
	[tilespmem:$0x1C000] =	vst v63  }
0xab: {  	_ =	swait.ge [sflag:s23], $0x1000  }
0xac: {  	[sflag:s23] =	ssyncset.done $0x0  }
0xad: {  	[sflag:s23] =	ssyncadd.s32 $0xFFFFF000  }
0xae: {  	[spmem:s3] =	stream.indirect.scatter.add.f32 [tilespmem:s31], [sflag:$0x10], $0x20, s5, s16, $0xb8;
	[tilespmem:$0x1C000] =	vst v63  }
.Ltmp4:
0xaf: {  	_ = 	snop;
	(pc) =	sbr.rel .LBB2_4-.Ltmp4, $4  }
0xb0: {  	_ =	swait.ge [sflag:s25], $0x1000  }
0xb1: {  	[sflag:s25] =	ssyncset.done $0x0  }
0xb2: {  	s30 =	sadd.s32 $0x780, s30;
	s28 =	sadd.s32 $0x1000, s28;
	[sflag:s25] =	ssyncadd.s32 $0xFFFFF000  }
0xb3: {  	[tilespmem:s31], [sflag:$0x8] =	stream.indirect.gather [spmem:s2], $0x20, s30, s16, $0xb8;
	[tilespmem:$0x1C000] =	vst v63  }
.LBB2_7:
0xb4: {  	_ =	sfence.sel $0x180000  }
0xb5: {  	[bflag:$0x0] =	sbarrier.arrive $0xFFFF  }
0xb6: {  	_ =	strace $0x9000004A  }
0xb7: {  	s0 =	stileid.u32;
	[bflag:$0x2] =	sbarrier.arrive $0xFFFF  }
0xb8: {  	p0 =	sne.s32 s0, $0x0;
	s0 =	rddreg [dreg:$0x3]  }
0xb9: {  	s0 =	sadd.s32 @!p0 $0x100000, s0  }
0xba: {  	[sflag:s0] =	ssyncadd.tile.s32 @!p0 $0x1;
	_ =	shalt  }
.Lfunc_end2:
_tile_overlayer_lowered:
.L_overlay_start_2:
0xbb: {  	(tag) =	ssettag $0x2  }
0xbc: {  	s0 =	rddreg [dreg:$0x0];
	s2 =	stileid.u32  }
0xbd: {  	s1 =	rddreg [dreg:$0x1];
	p0 =	sne.s32 s2, $0x0  }
0xbe: {  	s3 =	rddreg [dreg:$0x2];
	[bflag:$0x3] =	sbarrier.arrive $0xFFFF;
	s2 =	simm.s32 @!p0 $0x1C11  }
0xbf: {  	[timem:s3], [sflag:s2] =	dma.local @!p0 [hbm:s0], s1  }
0xc0: {  	s0 =	simm.s32 @!p0 $0x11  }
0xc1: {  	_ =	swait.ge @!p0 [sflag:s0], s1  }
0xc2: {  	s1 =	ssub.s32 @!p0 $0x0, s1;
	[sflag:s0] =	ssyncset.done @!p0 $0x0  }
0xc3: {  	[sflag:s0] =	ssyncadd.s32 @!p0 s1  }
0xc4: {  	[bflag:$0x3] =	sbarrier.arrive $0xFFFF  }
0xc5: {  	_ =	shalt  }

// kernel: kernel.14.cloned.1.call-start
scs
__scs_entry_jumppad:
0x0: {  	(pc) =	sbr.rel $0x88, $3  }
0x1: {  	(tag) =	ssettag $0x0;
	lr =	simm.s32 $0x1  }
0x2: {  	[smem:$0x3F9B] =	sst lr;
	_ =	strace $0xD0000000  }
0x3: {  	_ = 	snop  }
0x4: {  	_ = 	snop  }
0x5: {  	_ = 	snop  }
0x6: {  	_ = 	snop  }
0x7: {  	_ = 	snop  }
__scs_overlays_trampoline_lowered:
0x8: {  	[smem:$0x3FAA] =	sst s0  }
0x9: {  	[smem:$0x3FAB] =	sst s1  }
0xa: {  	[smem:$0x3FAC] =	sst s2  }
0xb: {  	[smem:$0x3FAD] =	sst s3  }
0xc: {  	[smem:$0x3FAE] =	sst s4  }
0xd: {  	[smem:$0x3FAF] =	sst s5  }
0xe: {  	[smem:$0x3FB0] =	sst s6  }
0xf: {  	[smem:$0x3FB1] =	sst s7  }
0x10: {  	[smem:$0x3FB2] =	sst s8  }
0x11: {  	[smem:$0x3FB3] =	sst s9;
	s0 =	simm.s32 @!p0 $0x0  }
0x12: {  	s1 =	sld [smem:$0x3F99];
	s0 =	simm.s32 @p0 $0x1  }
0x13: {  	[smem:$0x3FB4] =	sst s0;
	s0 =	simm.s32 @!p1 $0x0  }
0x14: {  	s2 =	sld [smem:$0x3F98];
	s0 =	simm.s32 @p1 $0x1  }
0x15: {  	[smem:$0x3FB5] =	sst s0;
	s0 =	simm.s32 @!p2 $0x0  }
0x16: {  	s3 =	sld [smem:$0x3FDB];
	s0 =	simm.s32 @p2 $0x1  }
0x17: {  	s4 =	simm.s32 $0x1BF5;
	[smem:$0x3FB7] =	sst s0  }
0x18: {  	s0 =	sld [smem:$0x3F9A];
	_ =	swait.ge [sflag:s4], $0x0  }
0x19: {  	s7 =	sld [smem:$0x3F9B]  }
0x1a: {  	s8 =	sadd.s32 $0xFFFFE003, lr  }
0x1b: {  	s9 =	sadd.s32 $0xFFFFFEF7, lr;
	s5 =	simm.s32 $0xFFFFFFFF;
	p2 =	slt.u32 s8, $0xFFFFF086  }
0x1c: {  	p1 =	slt.u32 s9, $0xF7A;
	s5 =	simm.s32 @!p2 $0x0  }
0x1d: {  	s5 =	simm.s32 @p1 $0x1;
	p0 =	seq.s32 s7, s2  }
0x1e: {  	s7 =	smul.u32 @!p0 $0xF7A, s2;
	p2 =	seq.s32 @!p0 s5, $0x0  }
0x1f: {  	s9 =	smul.u32 $0xF7A, s1;
	s8 =	simm.s32 @!p0 $0x1BF5;
	p2 =	por !p2, p0  }
0x20: {  	[sflag:s8] =	ssyncset.s32 @!p0 $0xFFFFF086;
	s6 =	sadd.s32 @!p0 s3, s7;
	s7 =	simm.s32 @!p0 $0x108  }
0x21: {  	s3 =	sadd.s32 s3, s9;
	s6 =	sadd.s32 @!p0 $0x88, s6;
	s7 =	simm.s32 @p2 $0x1082  }
0x22: {  	[simem:s7], [sflag:s8] =	dma.local @!p0 [hbm:s6], $0xF7A  }
0x23: {  	s9 =	sor.u32 $0xD0000000, s2;
	s6 =	simm.s32 $0x108;
	_ =	swait.ge @!p0 [sflag:s8], $0x0  }
0x24: {  	s3 =	sadd.s32 $0x88, s3;
	s6 =	simm.s32 @!p1 $0x1082;
	[sflag:s4] =	ssyncset.s32 $0xFFFFF086  }
0x25: {  	[simem:s6], [sflag:s4] =	dma.local [hbm:s3], $0xF7A  }
0x26: {  	[smem:$0x3F9B] =	sst s1;
	(tag) =	ssettag s2;
	_ =	strace s9  }
0x27: {  	s1 =	sld [smem:$0x3FAB]  }
0x28: {  	s2 =	sld [smem:$0x3FAC]  }
0x29: {  	s4 =	sld [smem:$0x3FAE]  }
0x2a: {  	p0 =	seq.s32 s5, $0x0;
	s5 =	sld [smem:$0x3FAF]  }
0x2b: {  	s6 =	sld [smem:$0x3FB0]  }
0x2c: {  	s7 =	sld [smem:$0x3FB1]  }
0x2d: {  	s3 =	simm.s32 $0x108;
	s8 =	sld [smem:$0x3FB2]  }
0x2e: {  	s3 =	simm.s32 @!p0 $0x1082;
	s9 =	sld [smem:$0x3FB3]  }
0x2f: {  	lr =	sadd.s32 s0, s3;
	s0 =	sld [smem:$0x3FAA]  }
0x30: {  	s3 =	sld [smem:$0x3FAD]  }
0x31: {  	[smem:$0x3FB6] =	sst s10  }
0x32: {  	s10 =	sld [smem:$0x3FB4];
	_ =	sdelay $0x3  }
0x33: {  	p0 =	seq.s32 s10, $0x1;
	s10 =	sld [smem:$0x3FB6];
	_ =	sdelay $0x3  }
0x34: {  	[smem:$0x3FB6] =	sst s10  }
0x35: {  	s10 =	sld [smem:$0x3FB5];
	_ =	sdelay $0x3  }
0x36: {  	p1 =	seq.s32 s10, $0x1;
	s10 =	sld [smem:$0x3FB6];
	_ =	sdelay $0x3  }
0x37: {  	[smem:$0x3FB6] =	sst s10  }
0x38: {  	s10 =	sld [smem:$0x3FB7]  }
0x39: {  	_ = 	snop;
	(pc) =	sbr.ind lr, $3  }
0x3a: {  	_ = 	snop  }
0x3b: {  	_ = 	snop  }
0x3c: {  	p2 =	seq.s32 s10, $0x1;
	s10 =	sld [smem:$0x3FB6]  }
0x3d: {  	_ =	shalt  }
0x3e: {  	_ =	shalt  }
0x3f: {  	_ =	shalt  }
0x40: {  	_ =	shalt  }
0x41: {  	_ =	shalt  }
0x42: {  	_ =	shalt  }
0x43: {  	_ =	shalt  }
0x44: {  	_ =	shalt  }
0x45: {  	_ =	shalt  }
0x46: {  	_ =	shalt  }
0x47: {  	_ =	shalt  }
0x48: {  	_ =	shalt  }
0x49: {  	_ =	shalt  }
0x4a: {  	_ =	shalt  }
0x4b: {  	_ =	shalt  }
0x4c: {  	_ =	shalt  }
0x4d: {  	_ =	shalt  }
0x4e: {  	_ =	shalt  }
0x4f: {  	_ =	shalt  }
0x50: {  	_ =	shalt  }
0x51: {  	_ =	shalt  }
0x52: {  	_ =	shalt  }
0x53: {  	_ =	shalt  }
0x54: {  	_ =	shalt  }
0x55: {  	_ =	shalt  }
0x56: {  	_ =	shalt  }
0x57: {  	_ =	shalt  }
0x58: {  	_ =	shalt  }
0x59: {  	_ =	shalt  }
0x5a: {  	_ =	shalt  }
0x5b: {  	_ =	shalt  }
0x5c: {  	_ =	shalt  }
0x5d: {  	_ =	shalt  }
0x5e: {  	_ =	shalt  }
0x5f: {  	_ =	shalt  }
0x60: {  	_ =	shalt  }
0x61: {  	_ =	shalt  }
0x62: {  	_ =	shalt  }
0x63: {  	_ =	shalt  }
0x64: {  	_ =	shalt  }
0x65: {  	_ =	shalt  }
0x66: {  	_ =	shalt  }
0x67: {  	_ =	shalt  }
0x68: {  	_ =	shalt  }
0x69: {  	_ =	shalt  }
0x6a: {  	_ =	shalt  }
0x6b: {  	_ =	shalt  }
0x6c: {  	_ =	shalt  }
0x6d: {  	_ =	shalt  }
0x6e: {  	_ =	shalt  }
0x6f: {  	_ =	shalt  }
0x70: {  	_ =	shalt  }
0x71: {  	_ =	shalt  }
0x72: {  	_ =	shalt  }
0x73: {  	_ =	shalt  }
0x74: {  	_ =	shalt  }
0x75: {  	_ =	shalt  }
0x76: {  	_ =	shalt  }
0x77: {  	_ =	shalt  }
0x78: {  	_ =	shalt  }
0x79: {  	_ =	shalt  }
0x7a: {  	_ =	shalt  }
0x7b: {  	_ =	shalt  }
0x7c: {  	_ =	shalt  }
0x7d: {  	_ =	shalt  }
0x7e: {  	_ =	shalt  }
0x7f: {  	_ =	shalt  }
0x80: {  	_ =	shalt  }
0x81: {  	_ =	shalt  }
0x82: {  	_ =	shalt  }
0x83: {  	_ =	shalt  }
0x84: {  	_ =	shalt  }
0x85: {  	_ =	shalt  }
0x86: {  	_ =	shalt  }
0x87: {  	_ =	shalt  }
.Lfunc_end0:
.L_simem_size_0:
called_computation.2_lowered:
.L_overlay_start_0:
0x88: {  	s2 =	sld [smem:$0x3FD9]  }
0x89: {  	s3 =	sld [smem:$0x3FFE];
	_ =	sdelay $0x1  }
0x8a: {  	s1 =	srdreg.scid  }
0x8b: {  	s0 =	sand.u32 $0x1, s1  }
0x8c: {  	s17 =	sshll.u32 s0, $0xA;
	s2 =	sadd.s32 s3, s2  }
0x8d: {  	s2 =	sadd.s32 s2, s17  }
0x8e: {  	[smem:$0x3FC2] =	sst s2  }
0x8f: {  	_ = 	snop  }
0x90: {  	s2 =	sld [smem:$0x3FD0];
	(tm) =	ssettm $0x1  }
0x91: {  	s18 =	sld [smem:$0x3FFB];
	_ =	sdelay $0x3  }
0x92: {  	_ =	strace s18  }
0x93: {  	s3 =	sld [smem:$0x3FFC];
	_ =	sdelay $0x3  }
0x94: {  	_ =	strace s3  }
0x95: {  	s3 =	sld [smem:$0x3FFD];
	_ =	sdelay $0x3  }
0x96: {  	_ =	strace s3  }
0x97: {  	_ =	strace $0x8FFFFFFF  }
0x98: {  	s19 =	sld [smem:$0x3FDB];
	_ =	sdelay $0x1  }
0x99: {  	s4 =	simm.s32 $_scs_section_size  }
0x9a: {  	s5 =	simm.s32 $_size__tile_overlayer_lowered;
	s6 =	simm.s32 $_tile_overlayer_lowered  }
0x9b: {  	s22 =	simm.s32 $0x1BFF;
	s21 =	sshll.u32 s6, $0x1;
	s3 =	sadd.s32 s4, s19  }
0x9c: {  	s7 =	simm.s32 $0x0;
	s20 =	sshll.u32 s5, $0x1;
	s5 =	sadd.s32 s21, s3  }
0x9d: {  	[timem:s7], [sflag:s22] =	dma.local [hbm:s5], s20  }
0x9e: {  	_ =	swait.ge [sflag:s22], s20  }
0x9f: {  	s4 =	ssub.s32 $0x0, s20;
	[sflag:s22] =	ssyncset.done $0x0  }
0xa0: {  	[sflag:s22] =	ssyncadd.s32 s4;
	_ =	sdelay $0x1  }
0xa1: {  	s23 =	simm.s32 $0x1B8B  }
0xa2: {  	_ =	swait.ge [sflag:s23], $0x1  }
0xa3: {  	[sflag:s23] =	ssyncset.done $0x0  }
0xa4: {  	s25 =	simm.s32 $0x1B8E;
	s24 =	sld [smem:$0x3FFE];
	[sflag:s23] =	ssyncadd.s32 $0xFFFFFFFF  }
0xa5: {  	s26 =	simm.s32 $execute0_lowered;
	[smem:$0x3FD2] =	sst s25  }
0xa6: {  	s5 =	sshll.u32 s26, $0x1;
	_ =	strace $0x8000004C;
	[dreg:$0x1] =	wrdreg $0xFFFFFFFF  }
0xa7: {  	s28 =	simm.s32 $_size_execute0_lowered;
	s3 =	sadd.s32 s3, s5;
	[dreg:$0x0] =	wrdreg $0x0  }
0xa8: {  	s5 =	sshll.u32 s28, $0x1;
	[dreg:$0x2] =	wrdreg s3  }
0xa9: {  	[dreg:$0x3] =	wrdreg s5  }
0xaa: {  	[dreg:$0x4] =	wrdreg $0xC0  }
0xab: {  	_ =	task [dreg:s7], $0x5FFFF  }
0xac: {  	[dreg:$0x1] =	wrdreg $0xFFFFFFFF  }
0xad: {  	[dreg:$0x0] =	wrdreg $0x60  }
0xae: {  	[dreg:$0x2] =	wrdreg s2  }
0xaf: {  	[dreg:$0x3] =	wrdreg s24  }
0xb0: {  	[dreg:$0x4] =	wrdreg $0x9  }
0xb1: {  	_ =	task.clear_ibuf [dreg:s7], $0x5FFFF;
	_ =	strace $0x9000004C  }
0xb2: {  	s29 =	simm.s32 $0x9;
	_ =	strace $0x8000004E  }
0xb3: {  	_ =	swait.ge [sflag:s29], $0x1  }
0xb4: {  	[sflag:s29] =	ssyncadd.s32 $0xFFFFFFFF  }
0xb5: {  	_ =	strace $0x9000004E  }
0xb6: {  	_ =	sfence  }
0xb7: {  	s30 =	sld [smem:$0x0];
	_ =	sdelay $0x2  }
0xb8: {  	s31 =	sshll.u32 s1, $0xD;
	s1 =	sshrl.u32 s1, $0x2  }
0xb9: {  	s3 =	sand.u32 $0x4000, s31;
	s1 =	sadd.s32 s1, s30  }
0xba: {  	s0 =	sor.u32 s3, s0;
	s1 =	sshll.u32 s1, $0x11  }
0xbb: {  	s0 =	sor.u32 s1, s0  }
0xbc: {  	s0 =	sadd.s32 $0x8F2B, s0  }
0xbd: {  	[sflag:s0] =	ssyncadd.remote.s32 $0x1  }
0xbe: {  	_ =	sfence.sel $0xFFFF  }
0xbf: {  	[dreg:$0x0] =	wrdreg $0xFFFFFFFF;
	(pc) =	sbr.abs _section_cstart, $3  }
0xc0: {  	[dreg:$0x1] =	wrdreg $0xFFFFFFFF  }
0xc1: {  	_ =	task.clear_ibuf [dreg:s7], $0x2FFFF;
	_ =	strace $0x9FFFFFFF  }
0xc2: {  	(tm) =	ssettm $0x7FFFFFFF  }
0xc3: {  	_ =	shalt  }
tec
execute0_lowered:
.L_overlay_start_1:
0x0: {  	(tag) =	ssettag $0x1  }
0x1: {  	s2 =	rddreg [dreg:$0x0];
	s1 =	srdreg.scid  }
0x2: {  	s0 =	stileid.u32;
	s4 =	rddreg [dreg:$0x1]  }
0x3: {  	s8 =	simm.s32 $0x5000;
	s9 =	simm.s32 $0x1;
	s10 =	simm.s32 $0x2800  }
0x4: {  	s11 =	simm.s32 $0x7800;
	s5 =	sand.u32 $0x1, s1;
	s3 =	sshll.u32 s0, $0x1  }
0x5: {  	s1 =	rddreg [dreg:$0x2];
	s6 =	sor.u32 s5, s3;
	s5 =	ssub.s32 $0x2, s5  }
0x6: {  	s3 =	simm.s32 $0x0;
	s6 =	smul.u32 $0x500, s6;
	s7 =	sshrl.u32 s5, $0x1  }
0x7: {  	s12 =	simm.s32 $0x0;
	[smem:$0x7FF] =	sst s3;
	s7 =	ssub.s32 s5, s7  }
0x8: {  	_ =	strace $0x8000004D;
	s6 =	sadd.s32 s6, s4;
	s7 =	smax.u32 s7, $0x1  }
0x9: {  	v0 =	vimm.f32 $0.0e+00;
	s4 =	sadd.s32 $0x16600, s6;
	s5 =	sadd.s32 $0x2600, s6;
	s6 =	sadd.s32 $0xC600, s6  }
.LBB2_1:
0xa: {  	[tilespmem:s8], [sflag:$0x1] =	stream.linear.gather [hbm4b:s2+s3], $0x2800, $0x38;
	[tilespmem:$0xA000] =	vst v63  }
0xb: {  	_ =	swait.ge [sflag:s9], $0x2800  }
0xc: {  	[sflag:s9] =	ssyncset.done $0x0  }
0xd: {  	[sflag:s9] =	ssyncadd.s32 $0xFFFFD800  }
0xe: {  	[tilespmem:s3], [sflag:$0x1] =	stream.linear.gather [hbm4b:s4+s3], $0x2800, $0x38;
	[tilespmem:$0xA000] =	vst v63  }
0xf: {  	_ =	swait.ge [sflag:s9], $0x2800  }
0x10: {  	[sflag:s9] =	ssyncset.done $0x0  }
0x11: {  	[sflag:s9] =	ssyncadd.s32 $0xFFFFD800  }
0x12: {  	[tilespmem:s10], [sflag:$0x1] =	stream.linear.gather [hbm4b:s5+s3], $0x2800, $0x38;
	[tilespmem:$0xA000] =	vst v63  }
0x13: {  	_ =	swait.ge [sflag:s9], $0x2800  }
0x14: {  	[sflag:s9] =	ssyncset.done $0x0  }
0x15: {  	s13 =	simm.s32 $0x0;
	[sflag:s9] =	ssyncadd.s32 $0xFFFFD800  }
.LBB2_2:
0x16: {  	p0 =	sne.s32 s13, $0x9FC0  }
.Ltmp0:
0x17: {  	_ = 	snop;
	(pc) =	sbr.rel @p0 .LBB2_2-.Ltmp0, $3  }
0x18: {  	_ =	sdelay $0x1  }
0x19: {  	s14 =	sshra.s32 s13, $0x2  }
0x1a: {  	s13 =	sadd.s32 $0x40, s13;
	[tilespmem:s14+$0x7800] =	vst v0  }
0x1b: {  	s13 =	simm.s32 $0x0  }
.LBB2_4:
0x1c: {  	s14 =	sshra.s32 s13, $0x2  }
0x1d: {  	v1 =	vld [tilespmem:s14+$0x0];
	_ =	sdelay $0x4  }
0x1e: {  	v2 =	vld [tilespmem:s14+$0x2800];
	_ =	sdelay $0x2  }
0x1f: {  	v1 =	vld.idx.msk [tilespmem:v1+s8+$0x0], $0xffff;
	_ =	sdelay $0x4  }
0x20: {  	[tilespmem:v2+s11+$0x0] =	vst.idx.add.f32.msk $0xffff, v1  }
0x21: {  	v1 =	vld [tilespmem:s14+$0x10];
	_ =	sdelay $0x4  }
0x22: {  	v2 =	vld [tilespmem:s14+$0x2810];
	_ =	sdelay $0x2  }
0x23: {  	v1 =	vld.idx.msk [tilespmem:v1+s8+$0x0], $0xffff;
	_ =	sdelay $0x4  }
0x24: {  	[tilespmem:v2+s11+$0x0] =	vst.idx.add.f32.msk $0xffff, v1  }
0x25: {  	v1 =	vld [tilespmem:s14+$0x20];
	_ =	sdelay $0x4  }
0x26: {  	v2 =	vld [tilespmem:s14+$0x2820];
	_ =	sdelay $0x2  }
0x27: {  	v1 =	vld.idx.msk [tilespmem:v1+s8+$0x0], $0xffff;
	_ =	sdelay $0x4  }
0x28: {  	[tilespmem:v2+s11+$0x0] =	vst.idx.add.f32.msk $0xffff, v1  }
0x29: {  	v1 =	vld [tilespmem:s14+$0x30];
	_ =	sdelay $0x4  }
0x2a: {  	v2 =	vld [tilespmem:s14+$0x2830];
	_ =	sdelay $0x2  }
0x2b: {  	v1 =	vld.idx.msk [tilespmem:v1+s8+$0x0], $0xffff;
	_ =	sdelay $0x4  }
0x2c: {  	[tilespmem:v2+s11+$0x0] =	vst.idx.add.f32.msk $0xffff, v1  }
0x2d: {  	v1 =	vld [tilespmem:s14+$0x40];
	_ =	sdelay $0x4  }
0x2e: {  	v2 =	vld [tilespmem:s14+$0x2840];
	_ =	sdelay $0x2  }
0x2f: {  	v1 =	vld.idx.msk [tilespmem:v1+s8+$0x0], $0xffff;
	_ =	sdelay $0x4  }
0x30: {  	[tilespmem:v2+s11+$0x0] =	vst.idx.add.f32.msk $0xffff, v1  }
0x31: {  	v1 =	vld [tilespmem:s14+$0x50];
	_ =	sdelay $0x4  }
0x32: {  	v2 =	vld [tilespmem:s14+$0x2850];
	_ =	sdelay $0x2  }
0x33: {  	v1 =	vld.idx.msk [tilespmem:v1+s8+$0x0], $0xffff;
	_ =	sdelay $0x4  }
0x34: {  	[tilespmem:v2+s11+$0x0] =	vst.idx.add.f32.msk $0xffff, v1  }
0x35: {  	v1 =	vld [tilespmem:s14+$0x60];
	_ =	sdelay $0x4  }
0x36: {  	v2 =	vld [tilespmem:s14+$0x2860];
	_ =	sdelay $0x2  }
0x37: {  	v1 =	vld.idx.msk [tilespmem:v1+s8+$0x0], $0xffff;
	_ =	sdelay $0x4  }
0x38: {  	[tilespmem:v2+s11+$0x0] =	vst.idx.add.f32.msk $0xffff, v1  }
0x39: {  	v1 =	vld [tilespmem:s14+$0x70];
	_ =	sdelay $0x4  }
0x3a: {  	v2 =	vld [tilespmem:s14+$0x2870];
	_ =	sdelay $0x2  }
0x3b: {  	p0 =	sne.s32 s13, $0x9E00;
	v1 =	vld.idx.msk [tilespmem:v1+s8+$0x0], $0xffff  }
.Ltmp1:
0x3c: {  	_ = 	snop;
	(pc) =	sbr.rel @p0 .LBB2_4-.Ltmp1, $2  }
0x3d: {  	_ =	sdelay $0x2  }
0x3e: {  	s13 =	sadd.s32 $0x200, s13;
	[tilespmem:v2+s11+$0x0] =	vst.idx.add.f32.msk $0xffff, v1  }
0x3f: {  	s12 =	sadd.s32 $0x1, s12  }
0x40: {  	p0 =	sne.s32 s12, s7  }
.Ltmp2:
0x41: {  	_ = 	snop;
	(pc) =	sbr.rel @p0 .LBB2_1-.Ltmp2, $4  }
0x42: {  	[hbm4b:s6+s3] =	stream.linear.scatter [tilespmem:s11], [sflag:$0x1], $0x2800, $0x38;
	[tilespmem:$0xA000] =	vst v63  }
0x43: {  	_ =	swait.ge [sflag:s9], $0x2800  }
0x44: {  	[sflag:s9] =	ssyncset.done $0x0  }
0x45: {  	[sflag:s9] =	ssyncadd.s32 $0xFFFFD800  }
0x46: {  	_ =	sfence.sel $0x180000  }
0x47: {  	[bflag:$0x0] =	sbarrier.arrive $0xFFFF  }
0x48: {  	p0 =	sne.s32 s0, $0x0;
	_ =	strace $0x9000004D  }
0x49: {  	s0 =	sadd.s32 @!p0 $0x100000, s1;
	[bflag:$0x2] =	sbarrier.arrive $0xFFFF  }
0x4a: {  	[sflag:s0] =	ssyncadd.tile.s32 @!p0 $0x1;
	_ =	shalt  }
.Lfunc_end2:
_tile_overlayer_lowered:
.L_overlay_start_2:
0x4b: {  	(tag) =	ssettag $0x2  }
0x4c: {  	s0 =	rddreg [dreg:$0x0];
	s2 =	stileid.u32  }
0x4d: {  	s1 =	rddreg [dreg:$0x1];
	p0 =	sne.s32 s2, $0x0  }
0x4e: {  	s3 =	rddreg [dreg:$0x2];
	[bflag:$0x3] =	sbarrier.arrive $0xFFFF;
	s2 =	simm.s32 @!p0 $0x1C01  }
0x4f: {  	[timem:s3], [sflag:s2] =	dma.local @!p0 [hbm:s0], s1  }
0x50: {  	s0 =	simm.s32 @!p0 $0x1  }
0x51: {  	_ =	swait.ge @!p0 [sflag:s0], s1  }
0x52: {  	s1 =	ssub.s32 @!p0 $0x0, s1;
	[sflag:s0] =	ssyncset.done @!p0 $0x0  }
0x53: {  	[sflag:s0] =	ssyncadd.s32 @!p0 s1  }
0x54: {  	[bflag:$0x3] =	sbarrier.arrive $0xFFFF  }
0x55: {  	_ =	shalt  }

// kernel: kernel.8.cloned.1.call-start
scs
__scs_entry_jumppad:
0x0: {  	(pc) =	sbr.rel $0x88, $3  }
0x1: {  	(tag) =	ssettag $0x0;
	lr =	simm.s32 $0x1  }
0x2: {  	[smem:$0x3F9B] =	sst lr;
	_ =	strace $0xD0000000  }
0x3: {  	_ = 	snop  }
0x4: {  	_ = 	snop  }
0x5: {  	_ = 	snop  }
0x6: {  	_ = 	snop  }
0x7: {  	_ = 	snop  }
__scs_overlays_trampoline_lowered:
0x8: {  	[smem:$0x3FAA] =	sst s0  }
0x9: {  	[smem:$0x3FAB] =	sst s1  }
0xa: {  	[smem:$0x3FAC] =	sst s2  }
0xb: {  	[smem:$0x3FAD] =	sst s3  }
0xc: {  	[smem:$0x3FAE] =	sst s4  }
0xd: {  	[smem:$0x3FAF] =	sst s5  }
0xe: {  	[smem:$0x3FB0] =	sst s6  }
0xf: {  	[smem:$0x3FB1] =	sst s7  }
0x10: {  	[smem:$0x3FB2] =	sst s8  }
0x11: {  	[smem:$0x3FB3] =	sst s9;
	s0 =	simm.s32 @!p0 $0x0  }
0x12: {  	s1 =	sld [smem:$0x3F99];
	s0 =	simm.s32 @p0 $0x1  }
0x13: {  	[smem:$0x3FB4] =	sst s0;
	s0 =	simm.s32 @!p1 $0x0  }
0x14: {  	s2 =	sld [smem:$0x3F98];
	s0 =	simm.s32 @p1 $0x1  }
0x15: {  	[smem:$0x3FB5] =	sst s0;
	s0 =	simm.s32 @!p2 $0x0  }
0x16: {  	s3 =	sld [smem:$0x3FDB];
	s0 =	simm.s32 @p2 $0x1  }
0x17: {  	s4 =	simm.s32 $0x1BF5;
	[smem:$0x3FB7] =	sst s0  }
0x18: {  	s0 =	sld [smem:$0x3F9A];
	_ =	swait.ge [sflag:s4], $0x0  }
0x19: {  	s7 =	sld [smem:$0x3F9B]  }
0x1a: {  	s8 =	sadd.s32 $0xFFFFE003, lr  }
0x1b: {  	s9 =	sadd.s32 $0xFFFFFEF7, lr;
	s5 =	simm.s32 $0xFFFFFFFF;
	p2 =	slt.u32 s8, $0xFFFFF086  }
0x1c: {  	p1 =	slt.u32 s9, $0xF7A;
	s5 =	simm.s32 @!p2 $0x0  }
0x1d: {  	s5 =	simm.s32 @p1 $0x1;
	p0 =	seq.s32 s7, s2  }
0x1e: {  	s7 =	smul.u32 @!p0 $0xF7A, s2;
	p2 =	seq.s32 @!p0 s5, $0x0  }
0x1f: {  	s9 =	smul.u32 $0xF7A, s1;
	s8 =	simm.s32 @!p0 $0x1BF5;
	p2 =	por !p2, p0  }
0x20: {  	[sflag:s8] =	ssyncset.s32 @!p0 $0xFFFFF086;
	s6 =	sadd.s32 @!p0 s3, s7;
	s7 =	simm.s32 @!p0 $0x108  }
0x21: {  	s3 =	sadd.s32 s3, s9;
	s6 =	sadd.s32 @!p0 $0x88, s6;
	s7 =	simm.s32 @p2 $0x1082  }
0x22: {  	[simem:s7], [sflag:s8] =	dma.local @!p0 [hbm:s6], $0xF7A  }
0x23: {  	s9 =	sor.u32 $0xD0000000, s2;
	s6 =	simm.s32 $0x108;
	_ =	swait.ge @!p0 [sflag:s8], $0x0  }
0x24: {  	s3 =	sadd.s32 $0x88, s3;
	s6 =	simm.s32 @!p1 $0x1082;
	[sflag:s4] =	ssyncset.s32 $0xFFFFF086  }
0x25: {  	[simem:s6], [sflag:s4] =	dma.local [hbm:s3], $0xF7A  }
0x26: {  	[smem:$0x3F9B] =	sst s1;
	(tag) =	ssettag s2;
	_ =	strace s9  }
0x27: {  	s1 =	sld [smem:$0x3FAB]  }
0x28: {  	s2 =	sld [smem:$0x3FAC]  }
0x29: {  	s4 =	sld [smem:$0x3FAE]  }
0x2a: {  	p0 =	seq.s32 s5, $0x0;
	s5 =	sld [smem:$0x3FAF]  }
0x2b: {  	s6 =	sld [smem:$0x3FB0]  }
0x2c: {  	s7 =	sld [smem:$0x3FB1]  }
0x2d: {  	s3 =	simm.s32 $0x108;
	s8 =	sld [smem:$0x3FB2]  }
0x2e: {  	s3 =	simm.s32 @!p0 $0x1082;
	s9 =	sld [smem:$0x3FB3]  }
0x2f: {  	lr =	sadd.s32 s0, s3;
	s0 =	sld [smem:$0x3FAA]  }
0x30: {  	s3 =	sld [smem:$0x3FAD]  }
0x31: {  	[smem:$0x3FB6] =	sst s10  }
0x32: {  	s10 =	sld [smem:$0x3FB4];
	_ =	sdelay $0x3  }
0x33: {  	p0 =	seq.s32 s10, $0x1;
	s10 =	sld [smem:$0x3FB6];
	_ =	sdelay $0x3  }
0x34: {  	[smem:$0x3FB6] =	sst s10  }
0x35: {  	s10 =	sld [smem:$0x3FB5];
	_ =	sdelay $0x3  }
0x36: {  	p1 =	seq.s32 s10, $0x1;
	s10 =	sld [smem:$0x3FB6];
	_ =	sdelay $0x3  }
0x37: {  	[smem:$0x3FB6] =	sst s10  }
0x38: {  	s10 =	sld [smem:$0x3FB7]  }
0x39: {  	_ = 	snop;
	(pc) =	sbr.ind lr, $3  }
0x3a: {  	_ = 	snop  }
0x3b: {  	_ = 	snop  }
0x3c: {  	p2 =	seq.s32 s10, $0x1;
	s10 =	sld [smem:$0x3FB6]  }
0x3d: {  	_ =	shalt  }
0x3e: {  	_ =	shalt  }
0x3f: {  	_ =	shalt  }
0x40: {  	_ =	shalt  }
0x41: {  	_ =	shalt  }
0x42: {  	_ =	shalt  }
0x43: {  	_ =	shalt  }
0x44: {  	_ =	shalt  }
0x45: {  	_ =	shalt  }
0x46: {  	_ =	shalt  }
0x47: {  	_ =	shalt  }
0x48: {  	_ =	shalt  }
0x49: {  	_ =	shalt  }
0x4a: {  	_ =	shalt  }
0x4b: {  	_ =	shalt  }
0x4c: {  	_ =	shalt  }
0x4d: {  	_ =	shalt  }
0x4e: {  	_ =	shalt  }
0x4f: {  	_ =	shalt  }
0x50: {  	_ =	shalt  }
0x51: {  	_ =	shalt  }
0x52: {  	_ =	shalt  }
0x53: {  	_ =	shalt  }
0x54: {  	_ =	shalt  }
0x55: {  	_ =	shalt  }
0x56: {  	_ =	shalt  }
0x57: {  	_ =	shalt  }
0x58: {  	_ =	shalt  }
0x59: {  	_ =	shalt  }
0x5a: {  	_ =	shalt  }
0x5b: {  	_ =	shalt  }
0x5c: {  	_ =	shalt  }
0x5d: {  	_ =	shalt  }
0x5e: {  	_ =	shalt  }
0x5f: {  	_ =	shalt  }
0x60: {  	_ =	shalt  }
0x61: {  	_ =	shalt  }
0x62: {  	_ =	shalt  }
0x63: {  	_ =	shalt  }
0x64: {  	_ =	shalt  }
0x65: {  	_ =	shalt  }
0x66: {  	_ =	shalt  }
0x67: {  	_ =	shalt  }
0x68: {  	_ =	shalt  }
0x69: {  	_ =	shalt  }
0x6a: {  	_ =	shalt  }
0x6b: {  	_ =	shalt  }
0x6c: {  	_ =	shalt  }
0x6d: {  	_ =	shalt  }
0x6e: {  	_ =	shalt  }
0x6f: {  	_ =	shalt  }
0x70: {  	_ =	shalt  }
0x71: {  	_ =	shalt  }
0x72: {  	_ =	shalt  }
0x73: {  	_ =	shalt  }
0x74: {  	_ =	shalt  }
0x75: {  	_ =	shalt  }
0x76: {  	_ =	shalt  }
0x77: {  	_ =	shalt  }
0x78: {  	_ =	shalt  }
0x79: {  	_ =	shalt  }
0x7a: {  	_ =	shalt  }
0x7b: {  	_ =	shalt  }
0x7c: {  	_ =	shalt  }
0x7d: {  	_ =	shalt  }
0x7e: {  	_ =	shalt  }
0x7f: {  	_ =	shalt  }
0x80: {  	_ =	shalt  }
0x81: {  	_ =	shalt  }
0x82: {  	_ =	shalt  }
0x83: {  	_ =	shalt  }
0x84: {  	_ =	shalt  }
0x85: {  	_ =	shalt  }
0x86: {  	_ =	shalt  }
0x87: {  	_ =	shalt  }
.Lfunc_end0:
.L_simem_size_0:
called_computation_lowered:
.L_overlay_start_0:
0x88: {  	s2 =	sld [smem:$0x3FD9]  }
0x89: {  	s3 =	sld [smem:$0x3FFE];
	_ =	sdelay $0x1  }
0x8a: {  	s1 =	srdreg.scid  }
0x8b: {  	s0 =	sand.u32 $0x1, s1  }
0x8c: {  	s16 =	sshll.u32 s0, $0xA;
	s2 =	sadd.s32 s3, s2  }
0x8d: {  	s2 =	sadd.s32 s2, s16  }
0x8e: {  	[smem:$0x3FC2] =	sst s2  }
0x8f: {  	_ = 	snop  }
0x90: {  	(tm) =	ssettm $0x1  }
0x91: {  	s17 =	sld [smem:$0x3FFB];
	_ =	sdelay $0x3  }
0x92: {  	_ =	strace s17  }
0x93: {  	s2 =	sld [smem:$0x3FFC];
	_ =	sdelay $0x3  }
0x94: {  	_ =	strace s2  }
0x95: {  	s2 =	sld [smem:$0x3FFD];
	_ =	sdelay $0x3  }
0x96: {  	_ =	strace s2  }
0x97: {  	_ =	strace $0x8FFFFFFF  }
0x98: {  	s18 =	sld [smem:$0x3FDB];
	_ =	sdelay $0x1  }
0x99: {  	s19 =	simm.s32 $_scs_section_size  }
0x9a: {  	s4 =	simm.s32 $_size__tile_overlayer_lowered;
	s5 =	simm.s32 $_tile_overlayer_lowered  }
0x9b: {  	s22 =	simm.s32 $0x1BFF;
	s21 =	sshll.u32 s5, $0x1;
	s2 =	sadd.s32 s19, s18  }
0x9c: {  	s6 =	simm.s32 $0x0;
	s20 =	sshll.u32 s4, $0x1;
	s4 =	sadd.s32 s21, s2  }
0x9d: {  	[timem:s6], [sflag:s22] =	dma.local [hbm:s4], s20  }
0x9e: {  	_ =	swait.ge [sflag:s22], s20  }
0x9f: {  	s3 =	ssub.s32 $0x0, s20;
	[sflag:s22] =	ssyncset.done $0x0  }
0xa0: {  	[sflag:s22] =	ssyncadd.s32 s3;
	_ =	sdelay $0x1  }
0xa1: {  	s23 =	simm.s32 $0x1B8B  }
0xa2: {  	_ =	swait.ge [sflag:s23], $0x1  }
0xa3: {  	[sflag:s23] =	ssyncset.done $0x0  }
0xa4: {  	s25 =	simm.s32 $0x1B8E;
	s24 =	sld [smem:$0x3FFE];
	[sflag:s23] =	ssyncadd.s32 $0xFFFFFFFF  }
0xa5: {  	s26 =	simm.s32 $execute0_lowered;
	[smem:$0x3FD2] =	sst s25  }
0xa6: {  	s4 =	sshll.u32 s26, $0x1;
	_ =	strace $0x80000046;
	[dreg:$0x1] =	wrdreg $0xFFFFFFFF  }
0xa7: {  	s28 =	simm.s32 $_size_execute0_lowered;
	s2 =	sadd.s32 s2, s4;
	[dreg:$0x0] =	wrdreg $0x0  }
0xa8: {  	s4 =	sshll.u32 s28, $0x1;
	[dreg:$0x2] =	wrdreg s2  }
0xa9: {  	[dreg:$0x3] =	wrdreg s4  }
0xaa: {  	[dreg:$0x4] =	wrdreg $0xC0  }
0xab: {  	_ =	task [dreg:s6], $0x5FFFF  }
0xac: {  	[dreg:$0x1] =	wrdreg $0xFFFFFFFF  }
0xad: {  	[dreg:$0x0] =	wrdreg $0x60  }
0xae: {  	[dreg:$0x2] =	wrdreg s24  }
0xaf: {  	[dreg:$0x3] =	wrdreg $0x9  }
0xb0: {  	_ =	task.clear_ibuf [dreg:s6], $0x4FFFF;
	_ =	strace $0x90000046  }
0xb1: {  	s29 =	simm.s32 $0x9;
	_ =	strace $0x80000048  }
0xb2: {  	_ =	swait.ge [sflag:s29], $0x1  }
0xb3: {  	[sflag:s29] =	ssyncadd.s32 $0xFFFFFFFF  }
0xb4: {  	_ =	strace $0x90000048  }
0xb5: {  	_ =	sfence  }
0xb6: {  	s30 =	sld [smem:$0x0];
	_ =	sdelay $0x2  }
0xb7: {  	s31 =	sshll.u32 s1, $0xD;
	s1 =	sshrl.u32 s1, $0x2  }
0xb8: {  	s3 =	sand.u32 $0x4000, s31;
	s1 =	sadd.s32 s1, s30  }
0xb9: {  	s0 =	sor.u32 s3, s0;
	s1 =	sshll.u32 s1, $0x11  }
0xba: {  	s0 =	sor.u32 s1, s0  }
0xbb: {  	s0 =	sadd.s32 $0x8F2B, s0  }
0xbc: {  	[sflag:s0] =	ssyncadd.remote.s32 $0x1  }
0xbd: {  	_ =	sfence.sel $0xFFFF  }
0xbe: {  	[dreg:$0x0] =	wrdreg $0xFFFFFFFF;
	(pc) =	sbr.abs _section_cstart, $3  }
0xbf: {  	[dreg:$0x1] =	wrdreg $0xFFFFFFFF  }
0xc0: {  	_ =	task.clear_ibuf [dreg:s6], $0x2FFFF;
	_ =	strace $0x9FFFFFFF  }
0xc1: {  	(tm) =	ssettm $0x7FFFFFFF  }
tec
execute0_lowered:
.L_overlay_start_1:
0x0: {  	(tag) =	ssettag $0x1  }
0x1: {  	s1 =	srdreg.scid;
	s0 =	stileid.u32  }
0x2: {  	s4 =	sand.u32 $0x1, s1;
	s2 =	sshll.u32 s0, $0x1  }
0x3: {  	s3 =	rddreg [dreg:$0x0];
	s5 =	sor.u32 s4, s2  }
0x4: {  	s7 =	simm.s32 $0x2800;
	s8 =	simm.s32 $0x0;
	s5 =	smul.u32 $0x500, s5  }
0x5: {  	s1 =	rddreg [dreg:$0x1];
	s2 =	simm.s32 $0x0;
	s4 =	ssub.s32 $0x2, s4  }
0x6: {  	[smem:$0x7FF] =	sst s2;
	s6 =	sshrl.u32 s4, $0x1;
	s5 =	sadd.s32 s5, s3  }
0x7: {  	_ =	strace $0x80000047;
	s6 =	ssub.s32 s4, s6;
	s3 =	sadd.s32 $0x2600, s5  }
0x8: {  	v0 =	vimm.f32 $0.0e+00;
	v1 =	vimm.f32 $1.000000000e+00;
	s4 =	sadd.s32 $0xC600, s5;
	s5 =	smax.u32 s6, $0x1;
	s6 =	simm.s32 $0x1  }
.LBB2_1:
0x9: {  	[tilespmem:s2], [sflag:$0x1] =	stream.linear.gather [hbm4b:s3+s2], $0x2800, $0x38;
	[tilespmem:$0x5000] =	vst v63  }
0xa: {  	_ =	swait.ge [sflag:s6], $0x2800  }
0xb: {  	[sflag:s6] =	ssyncset.done $0x0  }
0xc: {  	s9 =	simm.s32 $0x0;
	[sflag:s6] =	ssyncadd.s32 $0xFFFFD800  }
.LBB2_2:
0xd: {  	p0 =	sne.s32 s9, $0x9FC0  }
.Ltmp0:
0xe: {  	_ = 	snop;
	(pc) =	sbr.rel @p0 .LBB2_2-.Ltmp0, $3  }
0xf: {  	_ =	sdelay $0x1  }
0x10: {  	s10 =	sshra.s32 s9, $0x2  }
0x11: {  	s9 =	sadd.s32 $0x40, s9;
	[tilespmem:s10+$0x2800] =	vst v0  }
0x12: {  	s9 =	simm.s32 $0x0  }
.LBB2_4:
0x13: {  	s10 =	sshra.s32 s9, $0x2  }
0x14: {  	v2 =	vld [tilespmem:s10+$0x0];
	_ =	sdelay $0x7  }
0x15: {  	[tilespmem:v2+s7+$0x0] =	vst.idx.add.f32.msk $0xffff, v1  }
0x16: {  	v2 =	vld [tilespmem:s10+$0x10];
	_ =	sdelay $0x7  }
0x17: {  	[tilespmem:v2+s7+$0x0] =	vst.idx.add.f32.msk $0xffff, v1  }
0x18: {  	v2 =	vld [tilespmem:s10+$0x20];
	_ =	sdelay $0x7  }
0x19: {  	[tilespmem:v2+s7+$0x0] =	vst.idx.add.f32.msk $0xffff, v1  }
0x1a: {  	v2 =	vld [tilespmem:s10+$0x30];
	_ =	sdelay $0x7  }
0x1b: {  	[tilespmem:v2+s7+$0x0] =	vst.idx.add.f32.msk $0xffff, v1  }
0x1c: {  	v2 =	vld [tilespmem:s10+$0x40];
	_ =	sdelay $0x7  }
0x1d: {  	[tilespmem:v2+s7+$0x0] =	vst.idx.add.f32.msk $0xffff, v1  }
0x1e: {  	v2 =	vld [tilespmem:s10+$0x50];
	_ =	sdelay $0x7  }
0x1f: {  	[tilespmem:v2+s7+$0x0] =	vst.idx.add.f32.msk $0xffff, v1  }
0x20: {  	v2 =	vld [tilespmem:s10+$0x60];
	_ =	sdelay $0x7  }
0x21: {  	[tilespmem:v2+s7+$0x0] =	vst.idx.add.f32.msk $0xffff, v1  }
0x22: {  	v2 =	vld [tilespmem:s10+$0x70];
	_ =	sdelay $0x2  }
0x23: {  	p0 =	sne.s32 s9, $0x9E00  }
.Ltmp1:
0x24: {  	_ = 	snop;
	(pc) =	sbr.rel @p0 .LBB2_4-.Ltmp1, $2  }
0x25: {  	_ =	sdelay $0x2  }
0x26: {  	s9 =	sadd.s32 $0x200, s9;
	[tilespmem:v2+s7+$0x0] =	vst.idx.add.f32.msk $0xffff, v1  }
0x27: {  	s8 =	sadd.s32 $0x1, s8  }
0x28: {  	p0 =	sne.s32 s8, s5  }
.Ltmp2:
0x29: {  	_ = 	snop;
	(pc) =	sbr.rel @p0 .LBB2_1-.Ltmp2, $4  }
0x2a: {  	[hbm4b:s4+s2] =	stream.linear.scatter [tilespmem:s7], [sflag:$0x1], $0x2800, $0x38;
	[tilespmem:$0x5000] =	vst v63  }
0x2b: {  	_ =	swait.ge [sflag:s6], $0x2800  }
0x2c: {  	[sflag:s6] =	ssyncset.done $0x0  }
0x2d: {  	[sflag:s6] =	ssyncadd.s32 $0xFFFFD800  }
0x2e: {  	_ =	sfence.sel $0x180000  }
0x2f: {  	[bflag:$0x0] =	sbarrier.arrive $0xFFFF  }
0x30: {  	p0 =	sne.s32 s0, $0x0;
	_ =	strace $0x90000047  }
0x31: {  	s0 =	sadd.s32 @!p0 $0x100000, s1;
	[bflag:$0x2] =	sbarrier.arrive $0xFFFF  }
0x32: {  	[sflag:s0] =	ssyncadd.tile.s32 @!p0 $0x1;
	_ =	shalt  }
.Lfunc_end2:
_tile_overlayer_lowered:
.L_overlay_start_2:
0x33: {  	(tag) =	ssettag $0x2  }
0x34: {  	s0 =	rddreg [dreg:$0x0];
	s2 =	stileid.u32  }
0x35: {  	s1 =	rddreg [dreg:$0x1];
	p0 =	sne.s32 s2, $0x0  }
0x36: {  	s3 =	rddreg [dreg:$0x2];
	[bflag:$0x3] =	sbarrier.arrive $0xFFFF;
	s2 =	simm.s32 @!p0 $0x1C01  }
0x37: {  	[timem:s3], [sflag:s2] =	dma.local @!p0 [hbm:s0], s1  }
0x38: {  	s0 =	simm.s32 @!p0 $0x1  }
0x39: {  	_ =	swait.ge @!p0 [sflag:s0], s1  }
0x3a: {  	s1 =	ssub.s32 @!p0 $0x0, s1;
	[sflag:s0] =	ssyncset.done @!p0 $0x0  }
0x3b: {  	[sflag:s0] =	ssyncadd.s32 @!p0 s1  }
0x3c: {  	[bflag:$0x3] =	sbarrier.arrive $0xFFFF  }
0x3d: {  	_ =	shalt  }

</sc_bundles>
